<compile_context>
chip_gen: v7x
topology: tpu7x:2x2x1
jax: 0.10.2.dev20260603
libtpu: 0.0.44.dev20260713+nightly
codegen_flags: <defaults>
</compile_context>

<pallas_src>
import functools

import jax
import jax.numpy as jnp
from jax import lax
from jax.experimental import pallas as pl
from jax.experimental.pallas import tpu as pltpu
from jax.experimental.pallas import tpu_sc as plsc

ROWS = 1024
SEGS = 50
VOCAB = 1000
NC, NS, L = 2, 16, 16
NW = NC * NS
VB = 40
BPP = VOCAB // VB
NBLK = SEGS * BPP
KMAX = -(-NBLK // NW)
RCH = ROWS // L
RUNROLL = 8


def _onehot_body(xt_hbm, out_hbm, buf0, buf1, idx0, idx1, sem0, sem1):
    wid = lax.axis_index("s") * NC + lax.axis_index("c")
    bufs = (buf0, buf1)
    idxs = (idx0, idx1)
    sems = (sem0, sem1)

    iota = lax.iota(jnp.int32, L)
    zeros = jnp.zeros((L,), jnp.float32)
    ones = jnp.ones((L,), jnp.float32)

    def zero_row(r, _):
        for c in range(0, ROWS, L):
            buf0[r, pl.ds(c, L)] = zeros
            buf1[r, pl.ds(c, L)] = zeros
        return 0

    lax.fori_loop(0, VB, zero_row, 0)

    def scatter(buf, idx_v, v0, vals):
        def chunk_group(g, _):
            for u in range(RUNROLL):
                j = g * RUNROLL + u
                col = idx_v[pl.ds(j * L, L)]
                vl = col - v0
                mask = (vl >= 0) & (vl < VB)
                plsc.store_scatter(buf, [vl, j * L + iota], vals, mask=mask)
            return 0

        lax.fori_loop(0, RCH // RUNROLL, chunk_group, 0)

    def pair(k2, _):
        for b in range(2):
            k = 2 * k2 + b
            t = k * NW + wid
            tp = t - 2 * NW
            s = t // BPP
            v0 = (t % BPP) * VB
            sp = tp // BPP
            v0p = (tp % BPP) * VB

            @pl.when(k2 > 0)
            def _():
                pltpu.make_async_copy(
                    bufs[b], out_hbm.at[sp, pl.ds(v0p, VB), :], sems[b]
                ).wait()
                scatter(bufs[b], idxs[b], v0p, zeros)

            @pl.when(t < NBLK)
            def _():
                pltpu.sync_copy(xt_hbm.at[s], idxs[b])
                scatter(bufs[b], idxs[b], v0, ones)
                pltpu.async_copy(bufs[b], out_hbm.at[s, pl.ds(v0, VB), :], sems[b])

        return 0

    lax.fori_loop(0, KMAX // 2, pair, 0)

    for b in range(2):
        t = (KMAX - 2 + b) * NW + wid
        s = t // BPP
        v0 = (t % BPP) * VB

        @pl.when(t < NBLK)
        def _():
            pltpu.make_async_copy(
                bufs[b], out_hbm.at[s, pl.ds(v0, VB), :], sems[b]
            ).wait()


@jax.jit
def _onehot_sc(xt):
    mesh = plsc.VectorSubcoreMesh(core_axis_name="c", subcore_axis_name="s")
    return pl.kernel(
        _onehot_body,
        out_type=jax.ShapeDtypeStruct((SEGS, VOCAB, ROWS), jnp.float32),
        mesh=mesh,
        scratch_types=[
            pltpu.VMEM((VB, ROWS), jnp.float32),
            pltpu.VMEM((VB, ROWS), jnp.float32),
            pltpu.VMEM((ROWS,), jnp.int32),
            pltpu.VMEM((ROWS,), jnp.int32),
            pltpu.SemaphoreType.DMA,
            pltpu.SemaphoreType.DMA,
        ],
        compiler_params=pltpu.CompilerParams(needs_layout_passes=False),
    )(xt)


def kernel(x):
    xt = jnp.transpose(x.astype(jnp.int32))
    out_t = _onehot_sc(xt)
    return jnp.transpose(out_t, (2, 0, 1))

# --- scband reference (transcript-rebuilt; emitter-appended) ---
"""Pipeline reference for scband-one-hot-embedding-65541200937073 (READ-ONLY COPY).

The authoritative reference and input builder live on the scoring server;
editing this copy changes nothing except your own understanding.
"""

import jax, jax.numpy as jnp
import numpy as np

VOCAB_SIZE = 1000

def setup_inputs(seed: int = 0) -> dict:
    key = jax.random.key(seed)
    x = jax.random.randint(key, (1024, 50), 0, VOCAB_SIZE, dtype=jnp.int64)
    return {"x": x}

def reference(x) -> jnp.ndarray:
    # F.one_hot(x, vocab_size).float()
    return jax.nn.one_hot(x, VOCAB_SIZE, dtype=jnp.float32)

if __name__ == "__main__":
    import jax
    _d = setup_inputs()
    print(jax.jit(kernel)(*tuple(_d.values())))

</pallas_src>

<mosaic_0001>
#map = affine_map<(d0, d1) -> (0, 0)>
#map1 = affine_map<(d0, d1) -> (0, 0, 0)>
module attributes {stable_mosaic.version = 14 : i64} {
  func.func @_onehot_body(%arg0: i32, %arg1: i32, %arg2: memref<50x1024xi32, #tpu.memory_space<hbm>>, %arg3: memref<50x1000x1024xf32, #tpu.memory_space<hbm>>, %arg4: memref<40x1024xf32, #tpu.memory_space<vmem>>, %arg5: memref<40x1024xf32, #tpu.memory_space<vmem>>, %arg6: memref<1024xi32, #tpu.memory_space<vmem>>, %arg7: memref<1024xi32, #tpu.memory_space<vmem>>, %arg8: memref<!tpu.dma_semaphore, #tpu.memory_space<semaphore_mem>>, %arg9: memref<!tpu.dma_semaphore, #tpu.memory_space<semaphore_mem>>) attributes {dimension_semantics = [#tpu.dimension_semantics<core_parallel>, #tpu.dimension_semantics<subcore_parallel>], iteration_bounds = array<i64: 2, 16>, scalar_prefetch = 0 : i64, scratch_operands = 6 : i64, tpu.core_type = #tpu.core_type<sc_vector_subcore>, window_params = [{transform_indices = #map}, {transform_indices = #map1}]} {
    %mul3A = arith.constant 2 : i32
    %mul3A_0 = arith.muli %arg1, %mul3A : i32
    %add3A = arith.addi %mul3A_0, %arg0 : i32
    %iota3A = tpu.iota {dimensions = array<i32: 0>} : vector<16xi32>
    %broadcast_in_dim3A = arith.constant 0.000000e+00 : f32
    %broadcast_in_dim3A_1 = vector.broadcast %broadcast_in_dim3A : f32 to vector<16xf32>
    %broadcast_in_dim3A_2 = arith.constant 1.000000e+00 : f32
    %broadcast_in_dim3A_3 = vector.broadcast %broadcast_in_dim3A_2 : f32 to vector<16xf32>
    %scan3A = arith.constant 0 : i32
    %scan3A_4 = arith.constant 0 : i32
    %scan3A_5 = arith.constant 40 : i32
    %scan3A_6 = arith.addi %scan3A_4, %scan3A_5 : i32
    %scan3A_7 = arith.constant 1 : i32
    %scan3A_8 = scf.for %scan3A_103 = %scan3A_4 to %scan3A_6 step %scan3A_7 iter_args(%scan3A_104 = %scan3A) -> (i32)  : i32 {
      %swap3A = arith.index_cast %scan3A_103 : i32 to index
      %swap3A_105 = arith.constant 0 : index
      %swap3A_106 = tpu.vector_load %arg4[%swap3A, %swap3A_105] {strides = array<i32>} : memref<40x1024xf32, #tpu.memory_space<vmem>>, vector<16xf32>,
      tpu.vector_store %arg4[%swap3A, %swap3A_105], %broadcast_in_dim3A_1 {strides = array<i32>} : memref<40x1024xf32, #tpu.memory_space<vmem>>, vector<16xf32>,
      %swap3A_107 = arith.index_cast %scan3A_103 : i32 to index
      %swap3A_108 = arith.constant 0 : index
      %swap3A_109 = tpu.vector_load %arg5[%swap3A_107, %swap3A_108] {strides = array<i32>} : memref<40x1024xf32, #tpu.memory_space<vmem>>, vector<16xf32>,
      tpu.vector_store %arg5[%swap3A_107, %swap3A_108], %broadcast_in_dim3A_1 {strides = array<i32>} : memref<40x1024xf32, #tpu.memory_space<vmem>>, vector<16xf32>,
      %swap3A_110 = arith.index_cast %scan3A_103 : i32 to index
      %swap3A_111 = arith.constant 16 : index
      %swap3A_112 = tpu.vector_load %arg4[%swap3A_110, %swap3A_111] {strides = array<i32>} : memref<40x1024xf32, #tpu.memory_space<vmem>>, vector<16xf32>,
      tpu.vector_store %arg4[%swap3A_110, %swap3A_111], %broadcast_in_dim3A_1 {strides = array<i32>} : memref<40x1024xf32, #tpu.memory_space<vmem>>, vector<16xf32>,
      %swap3A_113 = arith.index_cast %scan3A_103 : i32 to index
      %swap3A_114 = arith.constant 16 : index
      %swap3A_115 = tpu.vector_load %arg5[%swap3A_113, %swap3A_114] {strides = array<i32>} : memref<40x1024xf32, #tpu.memory_space<vmem>>, vector<16xf32>,
      tpu.vector_store %arg5[%swap3A_113, %swap3A_114], %broadcast_in_dim3A_1 {strides = array<i32>} : memref<40x1024xf32, #tpu.memory_space<vmem>>, vector<16xf32>,
      %swap3A_116 = arith.index_cast %scan3A_103 : i32 to index
      %swap3A_117 = arith.constant 32 : index
      %swap3A_118 = tpu.vector_load %arg4[%swap3A_116, %swap3A_117] {strides = array<i32>} : memref<40x1024xf32, #tpu.memory_space<vmem>>, vector<16xf32>,
      tpu.vector_store %arg4[%swap3A_116, %swap3A_117], %broadcast_in_dim3A_1 {strides = array<i32>} : memref<40x1024xf32, #tpu.memory_space<vmem>>, vector<16xf32>,
      %swap3A_119 = arith.index_cast %scan3A_103 : i32 to index
      %swap3A_120 = arith.constant 32 : index
      %swap3A_121 = tpu.vector_load %arg5[%swap3A_119, %swap3A_120] {strides = array<i32>} : memref<40x1024xf32, #tpu.memory_space<vmem>>, vector<16xf32>,
      tpu.vector_store %arg5[%swap3A_119, %swap3A_120], %broadcast_in_dim3A_1 {strides = array<i32>} : memref<40x1024xf32, #tpu.memory_space<vmem>>, vector<16xf32>,
      %swap3A_122 = arith.index_cast %scan3A_103 : i32 to index
      %swap3A_123 = arith.constant 48 : index
      %swap3A_124 = tpu.vector_load %arg4[%swap3A_122, %swap3A_123] {strides = array<i32>} : memref<40x1024xf32, #tpu.memory_space<vmem>>, vector<16xf32>,
      tpu.vector_store %arg4[%swap3A_122, %swap3A_123], %broadcast_in_dim3A_1 {strides = array<i32>} : memref<40x1024xf32, #tpu.memory_space<vmem>>, vector<16xf32>,
      %swap3A_125 = arith.index_cast %scan3A_103 : i32 to index
      %swap3A_126 = arith.constant 48 : index
      %swap3A_127 = tpu.vector_load %arg5[%swap3A_125, %swap3A_126] {strides = array<i32>} : memref<40x1024xf32, #tpu.memory_space<vmem>>, vector<16xf32>,
      tpu.vector_store %arg5[%swap3A_125, %swap3A_126], %broadcast_in_dim3A_1 {strides = array<i32>} : memref<40x1024xf32, #tpu.memory_space<vmem>>, vector<16xf32>,
      %swap3A_128 = arith.index_cast %scan3A_103 : i32 to index
      %swap3A_129 = arith.constant 64 : index
      %swap3A_130 = tpu.vector_load %arg4[%swap3A_128, %swap3A_129] {strides = array<i32>} : memref<40x1024xf32, #tpu.memory_space<vmem>>, vector<16xf32>,
      tpu.vector_store %arg4[%swap3A_128, %swap3A_129], %broadcast_in_dim3A_1 {strides = array<i32>} : memref<40x1024xf32, #tpu.memory_space<vmem>>, vector<16xf32>,
      %swap3A_131 = arith.index_cast %scan3A_103 : i32 to index
      %swap3A_132 = arith.constant 64 : index
      %swap3A_133 = tpu.vector_load %arg5[%swap3A_131, %swap3A_132] {strides = array<i32>} : memref<40x1024xf32, #tpu.memory_space<vmem>>, vector<16xf32>,
      tpu.vector_store %arg5[%swap3A_131, %swap3A_132], %broadcast_in_dim3A_1 {strides = array<i32>} : memref<40x1024xf32, #tpu.memory_space<vmem>>, vector<16xf32>,
      %swap3A_134 = arith.index_cast %scan3A_103 : i32 to index
      %swap3A_135 = arith.constant 80 : index
      %swap3A_136 = tpu.vector_load %arg4[%swap3A_134, %swap3A_135] {strides = array<i32>} : memref<40x1024xf32, #tpu.memory_space<vmem>>, vector<16xf32>,
      tpu.vector_store %arg4[%swap3A_134, %swap3A_135], %broadcast_in_dim3A_1 {strides = array<i32>} : memref<40x1024xf32, #tpu.memory_space<vmem>>, vector<16xf32>,
      %swap3A_137 = arith.index_cast %scan3A_103 : i32 to index
      %swap3A_138 = arith.constant 80 : index
      %swap3A_139 = tpu.vector_load %arg5[%swap3A_137, %swap3A_138] {strides = array<i32>} : memref<40x1024xf32, #tpu.memory_space<vmem>>, vector<16xf32>,
      tpu.vector_store %arg5[%swap3A_137, %swap3A_138], %broadcast_in_dim3A_1 {strides = array<i32>} : memref<40x1024xf32, #tpu.memory_space<vmem>>, vector<16xf32>,
      %swap3A_140 = arith.index_cast %scan3A_103 : i32 to index
      %swap3A_141 = arith.constant 96 : index
      %swap3A_142 = tpu.vector_load %arg4[%swap3A_140, %swap3A_141] {strides = array<i32>} : memref<40x1024xf32, #tpu.memory_space<vmem>>, vector<16xf32>,
      tpu.vector_store %arg4[%swap3A_140, %swap3A_141], %broadcast_in_dim3A_1 {strides = array<i32>} : memref<40x1024xf32, #tpu.memory_space<vmem>>, vector<16xf32>,
      %swap3A_143 = arith.index_cast %scan3A_103 : i32 to index
      %swap3A_144 = arith.constant 96 : index
      %swap3A_145 = tpu.vector_load %arg5[%swap3A_143, %swap3A_144] {strides = array<i32>} : memref<40x1024xf32, #tpu.memory_space<vmem>>, vector<16xf32>,
      tpu.vector_store %arg5[%swap3A_143, %swap3A_144], %broadcast_in_dim3A_1 {strides = array<i32>} : memref<40x1024xf32, #tpu.memory_space<vmem>>, vector<16xf32>,
      %swap3A_146 = arith.index_cast %scan3A_103 : i32 to index
      %swap3A_147 = arith.constant 112 : index
      %swap3A_148 = tpu.vector_load %arg4[%swap3A_146, %swap3A_147] {strides = array<i32>} : memref<40x1024xf32, #tpu.memory_space<vmem>>, vector<16xf32>,
      tpu.vector_store %arg4[%swap3A_146, %swap3A_147], %broadcast_in_dim3A_1 {strides = array<i32>} : memref<40x1024xf32, #tpu.memory_space<vmem>>, vector<16xf32>,
      %swap3A_149 = arith.index_cast %scan3A_103 : i32 to index
      %swap3A_150 = arith.constant 112 : index
      %swap3A_151 = tpu.vector_load %arg5[%swap3A_149, %swap3A_150] {strides = array<i32>} : memref<40x1024xf32, #tpu.memory_space<vmem>>, vector<16xf32>,
      tpu.vector_store %arg5[%swap3A_149, %swap3A_150], %broadcast_in_dim3A_1 {strides = array<i32>} : memref<40x1024xf32, #tpu.memory_space<vmem>>, vector<16xf32>,
      %swap3A_152 = arith.index_cast %scan3A_103 : i32 to index
      %swap3A_153 = arith.constant 128 : index
      %swap3A_154 = tpu.vector_load %arg4[%swap3A_152, %swap3A_153] {strides = array<i32>} : memref<40x1024xf32, #tpu.memory_space<vmem>>, vector<16xf32>,
      tpu.vector_store %arg4[%swap3A_152, %swap3A_153], %broadcast_in_dim3A_1 {strides = array<i32>} : memref<40x1024xf32, #tpu.memory_space<vmem>>, vector<16xf32>,
      %swap3A_155 = arith.index_cast %scan3A_103 : i32 to index
      %swap3A_156 = arith.constant 128 : index
      %swap3A_157 = tpu.vector_load %arg5[%swap3A_155, %swap3A_156] {strides = array<i32>} : memref<40x1024xf32, #tpu.memory_space<vmem>>, vector<16xf32>,
      tpu.vector_store %arg5[%swap3A_155, %swap3A_156], %broadcast_in_dim3A_1 {strides = array<i32>} : memref<40x1024xf32, #tpu.memory_space<vmem>>, vector<16xf32>,
      %swap3A_158 = arith.index_cast %scan3A_103 : i32 to index
      %swap3A_159 = arith.constant 144 : index
      %swap3A_160 = tpu.vector_load %arg4[%swap3A_158, %swap3A_159] {strides = array<i32>} : memref<40x1024xf32, #tpu.memory_space<vmem>>, vector<16xf32>,
      tpu.vector_store %arg4[%swap3A_158, %swap3A_159], %broadcast_in_dim3A_1 {strides = array<i32>} : memref<40x1024xf32, #tpu.memory_space<vmem>>, vector<16xf32>,
      %swap3A_161 = arith.index_cast %scan3A_103 : i32 to index
      %swap3A_162 = arith.constant 144 : index
      %swap3A_163 = tpu.vector_load %arg5[%swap3A_161, %swap3A_162] {strides = array<i32>} : memref<40x1024xf32, #tpu.memory_space<vmem>>, vector<16xf32>,
      tpu.vector_store %arg5[%swap3A_161, %swap3A_162], %broadcast_in_dim3A_1 {strides = array<i32>} : memref<40x1024xf32, #tpu.memory_space<vmem>>, vector<16xf32>,
      %swap3A_164 = arith.index_cast %scan3A_103 : i32 to index
      %swap3A_165 = arith.constant 160 : index
      %swap3A_166 = tpu.vector_load %arg4[%swap3A_164, %swap3A_165] {strides = array<i32>} : memref<40x1024xf32, #tpu.memory_space<vmem>>, vector<16xf32>,
      tpu.vector_store %arg4[%swap3A_164, %swap3A_165], %broadcast_in_dim3A_1 {strides = array<i32>} : memref<40x1024xf32, #tpu.memory_space<vmem>>, vector<16xf32>,
      %swap3A_167 = arith.index_cast %scan3A_103 : i32 to index
      %swap3A_168 = arith.constant 160 : index
      %swap3A_169 = tpu.vector_load %arg5[%swap3A_167, %swap3A_168] {strides = array<i32>} : memref<40x1024xf32, #tpu.memory_space<vmem>>, vector<16xf32>,
      tpu.vector_store %arg5[%swap3A_167, %swap3A_168], %broadcast_in_dim3A_1 {strides = array<i32>} : memref<40x1024xf32, #tpu.memory_space<vmem>>, vector<16xf32>,
      %swap3A_170 = arith.index_cast %scan3A_103 : i32 to index
      %swap3A_171 = arith.constant 176 : index
      %swap3A_172 = tpu.vector_load %arg4[%swap3A_170, %swap3A_171] {strides = array<i32>} : memref<40x1024xf32, #tpu.memory_space<vmem>>, vector<16xf32>,
      tpu.vector_store %arg4[%swap3A_170, %swap3A_171], %broadcast_in_dim3A_1 {strides = array<i32>} : memref<40x1024xf32, #tpu.memory_space<vmem>>, vector<16xf32>,
      %swap3A_173 = arith.index_cast %scan3A_103 : i32 to index
      %swap3A_174 = arith.constant 176 : index
      %swap3A_175 = tpu.vector_load %arg5[%swap3A_173, %swap3A_174] {strides = array<i32>} : memref<40x1024xf32, #tpu.memory_space<vmem>>, vector<16xf32>,
      tpu.vector_store %arg5[%swap3A_173, %swap3A_174], %broadcast_in_dim3A_1 {strides = array<i32>} : memref<40x1024xf32, #tpu.memory_space<vmem>>, vector<16xf32>,
      %swap3A_176 = arith.index_cast %scan3A_103 : i32 to index
      %swap3A_177 = arith.constant 192 : index
      %swap3A_178 = tpu.vector_load %arg4[%swap3A_176, %swap3A_177] {strides = array<i32>} : memref<40x1024xf32, #tpu.memory_space<vmem>>, vector<16xf32>,
      tpu.vector_store %arg4[%swap3A_176, %swap3A_177], %broadcast_in_dim3A_1 {strides = array<i32>} : memref<40x1024xf32, #tpu.memory_space<vmem>>, vector<16xf32>,
      %swap3A_179 = arith.index_cast %scan3A_103 : i32 to index
      %swap3A_180 = arith.constant 192 : index
      %swap3A_181 = tpu.vector_load %arg5[%swap3A_179, %swap3A_180] {strides = array<i32>} : memref<40x1024xf32, #tpu.memory_space<vmem>>, vector<16xf32>,
      tpu.vector_store %arg5[%swap3A_179, %swap3A_180], %broadcast_in_dim3A_1 {strides = array<i32>} : memref<40x1024xf32, #tpu.memory_space<vmem>>, vector<16xf32>,
      %swap3A_182 = arith.index_cast %scan3A_103 : i32 to index
      %swap3A_183 = arith.constant 208 : index
      %swap3A_184 = tpu.vector_load %arg4[%swap3A_182, %swap3A_183] {strides = array<i32>} : memref<40x1024xf32, #tpu.memory_space<vmem>>, vector<16xf32>,
      tpu.vector_store %arg4[%swap3A_182, %swap3A_183], %broadcast_in_dim3A_1 {strides = array<i32>} : memref<40x1024xf32, #tpu.memory_space<vmem>>, vector<16xf32>,
      %swap3A_185 = arith.index_cast %scan3A_103 : i32 to index
      %swap3A_186 = arith.constant 208 : index
      %swap3A_187 = tpu.vector_load %arg5[%swap3A_185, %swap3A_186] {strides = array<i32>} : memref<40x1024xf32, #tpu.memory_space<vmem>>, vector<16xf32>,
      tpu.vector_store %arg5[%swap3A_185, %swap3A_186], %broadcast_in_dim3A_1 {strides = array<i32>} : memref<40x1024xf32, #tpu.memory_space<vmem>>, vector<16xf32>,
      %swap3A_188 = arith.index_cast %scan3A_103 : i32 to index
      %swap3A_189 = arith.constant 224 : index
      %swap3A_190 = tpu.vector_load %arg4[%swap3A_188, %swap3A_189] {strides = array<i32>} : memref<40x1024xf32, #tpu.memory_space<vmem>>, vector<16xf32>,
      tpu.vector_store %arg4[%swap3A_188, %swap3A_189], %broadcast_in_dim3A_1 {strides = array<i32>} : memref<40x1024xf32, #tpu.memory_space<vmem>>, vector<16xf32>,
      %swap3A_191 = arith.index_cast %scan3A_103 : i32 to index
      %swap3A_192 = arith.constant 224 : index
      %swap3A_193 = tpu.vector_load %arg5[%swap3A_191, %swap3A_192] {strides = array<i32>} : memref<40x1024xf32, #tpu.memory_space<vmem>>, vector<16xf32>,
      tpu.vector_store %arg5[%swap3A_191, %swap3A_192], %broadcast_in_dim3A_1 {strides = array<i32>} : memref<40x1024xf32, #tpu.memory_space<vmem>>, vector<16xf32>,
      %swap3A_194 = arith.index_cast %scan3A_103 : i32 to index
      %swap3A_195 = arith.constant 240 : index
      %swap3A_196 = tpu.vector_load %arg4[%swap3A_194, %swap3A_195] {strides = array<i32>} : memref<40x1024xf32, #tpu.memory_space<vmem>>, vector<16xf32>,
      tpu.vector_store %arg4[%swap3A_194, %swap3A_195], %broadcast_in_dim3A_1 {strides = array<i32>} : memref<40x1024xf32, #tpu.memory_space<vmem>>, vector<16xf32>,
      %swap3A_197 = arith.index_cast %scan3A_103 : i32 to index
      %swap3A_198 = arith.constant 240 : index
      %swap3A_199 = tpu.vector_load %arg5[%swap3A_197, %swap3A_198] {strides = array<i32>} : memref<40x1024xf32, #tpu.memory_space<vmem>>, vector<16xf32>,
      tpu.vector_store %arg5[%swap3A_197, %swap3A_198], %broadcast_in_dim3A_1 {strides = array<i32>} : memref<40x1024xf32, #tpu.memory_space<vmem>>, vector<16xf32>,
      %swap3A_200 = arith.index_cast %scan3A_103 : i32 to index
      %swap3A_201 = arith.constant 256 : index
      %swap3A_202 = tpu.vector_load %arg4[%swap3A_200, %swap3A_201] {strides = array<i32>} : memref<40x1024xf32, #tpu.memory_space<vmem>>, vector<16xf32>,
      tpu.vector_store %arg4[%swap3A_200, %swap3A_201], %broadcast_in_dim3A_1 {strides = array<i32>} : memref<40x1024xf32, #tpu.memory_space<vmem>>, vector<16xf32>,
      %swap3A_203 = arith.index_cast %scan3A_103 : i32 to index
      %swap3A_204 = arith.constant 256 : index
      %swap3A_205 = tpu.vector_load %arg5[%swap3A_203, %swap3A_204] {strides = array<i32>} : memref<40x1024xf32, #tpu.memory_space<vmem>>, vector<16xf32>,
      tpu.vector_store %arg5[%swap3A_203, %swap3A_204], %broadcast_in_dim3A_1 {strides = array<i32>} : memref<40x1024xf32, #tpu.memory_space<vmem>>, vector<16xf32>,
      %swap3A_206 = arith.index_cast %scan3A_103 : i32 to index
      %swap3A_207 = arith.constant 272 : index
      %swap3A_208 = tpu.vector_load %arg4[%swap3A_206, %swap3A_207] {strides = array<i32>} : memref<40x1024xf32, #tpu.memory_space<vmem>>, vector<16xf32>,
      tpu.vector_store %arg4[%swap3A_206, %swap3A_207], %broadcast_in_dim3A_1 {strides = array<i32>} : memref<40x1024xf32, #tpu.memory_space<vmem>>, vector<16xf32>,
      %swap3A_209 = arith.index_cast %scan3A_103 : i32 to index
      %swap3A_210 = arith.constant 272 : index
      %swap3A_211 = tpu.vector_load %arg5[%swap3A_209, %swap3A_210] {strides = array<i32>} : memref<40x1024xf32, #tpu.memory_space<vmem>>, vector<16xf32>,
      tpu.vector_store %arg5[%swap3A_209, %swap3A_210], %broadcast_in_dim3A_1 {strides = array<i32>} : memref<40x1024xf32, #tpu.memory_space<vmem>>, vector<16xf32>,
      %swap3A_212 = arith.index_cast %scan3A_103 : i32 to index
      %swap3A_213 = arith.constant 288 : index
      %swap3A_214 = tpu.vector_load %arg4[%swap3A_212, %swap3A_213] {strides = array<i32>} : memref<40x1024xf32, #tpu.memory_space<vmem>>, vector<16xf32>,
      tpu.vector_store %arg4[%swap3A_212, %swap3A_213], %broadcast_in_dim3A_1 {strides = array<i32>} : memref<40x1024xf32, #tpu.memory_space<vmem>>, vector<16xf32>,
      %swap3A_215 = arith.index_cast %scan3A_103 : i32 to index
      %swap3A_216 = arith.constant 288 : index
      %swap3A_217 = tpu.vector_load %arg5[%swap3A_215, %swap3A_216] {strides = array<i32>} : memref<40x1024xf32, #tpu.memory_space<vmem>>, vector<16xf32>,
      tpu.vector_store %arg5[%swap3A_215, %swap3A_216], %broadcast_in_dim3A_1 {strides = array<i32>} : memref<40x1024xf32, #tpu.memory_space<vmem>>, vector<16xf32>,
      %swap3A_218 = arith.index_cast %scan3A_103 : i32 to index
      %swap3A_219 = arith.constant 304 : index
      %swap3A_220 = tpu.vector_load %arg4[%swap3A_218, %swap3A_219] {strides = array<i32>} : memref<40x1024xf32, #tpu.memory_space<vmem>>, vector<16xf32>,
      tpu.vector_store %arg4[%swap3A_218, %swap3A_219], %broadcast_in_dim3A_1 {strides = array<i32>} : memref<40x1024xf32, #tpu.memory_space<vmem>>, vector<16xf32>,
      %swap3A_221 = arith.index_cast %scan3A_103 : i32 to index
      %swap3A_222 = arith.constant 304 : index
      %swap3A_223 = tpu.vector_load %arg5[%swap3A_221, %swap3A_222] {strides = array<i32>} : memref<40x1024xf32, #tpu.memory_space<vmem>>, vector<16xf32>,
      tpu.vector_store %arg5[%swap3A_221, %swap3A_222], %broadcast_in_dim3A_1 {strides = array<i32>} : memref<40x1024xf32, #tpu.memory_space<vmem>>, vector<16xf32>,
      %swap3A_224 = arith.index_cast %scan3A_103 : i32 to index
      %swap3A_225 = arith.constant 320 : index
      %swap3A_226 = tpu.vector_load %arg4[%swap3A_224, %swap3A_225] {strides = array<i32>} : memref<40x1024xf32, #tpu.memory_space<vmem>>, vector<16xf32>,
      tpu.vector_store %arg4[%swap3A_224, %swap3A_225], %broadcast_in_dim3A_1 {strides = array<i32>} : memref<40x1024xf32, #tpu.memory_space<vmem>>, vector<16xf32>,
      %swap3A_227 = arith.index_cast %scan3A_103 : i32 to index
      %swap3A_228 = arith.constant 320 : index
      %swap3A_229 = tpu.vector_load %arg5[%swap3A_227, %swap3A_228] {strides = array<i32>} : memref<40x1024xf32, #tpu.memory_space<vmem>>, vector<16xf32>,
      tpu.vector_store %arg5[%swap3A_227, %swap3A_228], %broadcast_in_dim3A_1 {strides = array<i32>} : memref<40x1024xf32, #tpu.memory_space<vmem>>, vector<16xf32>,
      %swap3A_230 = arith.index_cast %scan3A_103 : i32 to index
      %swap3A_231 = arith.constant 336 : index
      %swap3A_232 = tpu.vector_load %arg4[%swap3A_230, %swap3A_231] {strides = array<i32>} : memref<40x1024xf32, #tpu.memory_space<vmem>>, vector<16xf32>,
      tpu.vector_store %arg4[%swap3A_230, %swap3A_231], %broadcast_in_dim3A_1 {strides = array<i32>} : memref<40x1024xf32, #tpu.memory_space<vmem>>, vector<16xf32>,
      %swap3A_233 = arith.index_cast %scan3A_103 : i32 to index
      %swap3A_234 = arith.constant 336 : index
      %swap3A_235 = tpu.vector_load %arg5[%swap3A_233, %swap3A_234] {strides = array<i32>} : memref<40x1024xf32, #tpu.memory_space<vmem>>, vector<16xf32>,
      tpu.vector_store %arg5[%swap3A_233, %swap3A_234], %broadcast_in_dim3A_1 {strides = array<i32>} : memref<40x1024xf32, #tpu.memory_space<vmem>>, vector<16xf32>,
      %swap3A_236 = arith.index_cast %scan3A_103 : i32 to index
      %swap3A_237 = arith.constant 352 : index
      %swap3A_238 = tpu.vector_load %arg4[%swap3A_236, %swap3A_237] {strides = array<i32>} : memref<40x1024xf32, #tpu.memory_space<vmem>>, vector<16xf32>,
      tpu.vector_store %arg4[%swap3A_236, %swap3A_237], %broadcast_in_dim3A_1 {strides = array<i32>} : memref<40x1024xf32, #tpu.memory_space<vmem>>, vector<16xf32>,
      %swap3A_239 = arith.index_cast %scan3A_103 : i32 to index
      %swap3A_240 = arith.constant 352 : index
      %swap3A_241 = tpu.vector_load %arg5[%swap3A_239, %swap3A_240] {strides = array<i32>} : memref<40x1024xf32, #tpu.memory_space<vmem>>, vector<16xf32>,
      tpu.vector_store %arg5[%swap3A_239, %swap3A_240], %broadcast_in_dim3A_1 {strides = array<i32>} : memref<40x1024xf32, #tpu.memory_space<vmem>>, vector<16xf32>,
      %swap3A_242 = arith.index_cast %scan3A_103 : i32 to index
      %swap3A_243 = arith.constant 368 : index
      %swap3A_244 = tpu.vector_load %arg4[%swap3A_242, %swap3A_243] {strides = array<i32>} : memref<40x1024xf32, #tpu.memory_space<vmem>>, vector<16xf32>,
      tpu.vector_store %arg4[%swap3A_242, %swap3A_243], %broadcast_in_dim3A_1 {strides = array<i32>} : memref<40x1024xf32, #tpu.memory_space<vmem>>, vector<16xf32>,
      %swap3A_245 = arith.index_cast %scan3A_103 : i32 to index
      %swap3A_246 = arith.constant 368 : index
      %swap3A_247 = tpu.vector_load %arg5[%swap3A_245, %swap3A_246] {strides = array<i32>} : memref<40x1024xf32, #tpu.memory_space<vmem>>, vector<16xf32>,
      tpu.vector_store %arg5[%swap3A_245, %swap3A_246], %broadcast_in_dim3A_1 {strides = array<i32>} : memref<40x1024xf32, #tpu.memory_space<vmem>>, vector<16xf32>,
      %swap3A_248 = arith.index_cast %scan3A_103 : i32 to index
      %swap3A_249 = arith.constant 384 : index
      %swap3A_250 = tpu.vector_load %arg4[%swap3A_248, %swap3A_249] {strides = array<i32>} : memref<40x1024xf32, #tpu.memory_space<vmem>>, vector<16xf32>,
      tpu.vector_store %arg4[%swap3A_248, %swap3A_249], %broadcast_in_dim3A_1 {strides = array<i32>} : memref<40x1024xf32, #tpu.memory_space<vmem>>, vector<16xf32>,
      %swap3A_251 = arith.index_cast %scan3A_103 : i32 to index
      %swap3A_252 = arith.constant 384 : index
      %swap3A_253 = tpu.vector_load %arg5[%swap3A_251, %swap3A_252] {strides = array<i32>} : memref<40x1024xf32, #tpu.memory_space<vmem>>, vector<16xf32>,
      tpu.vector_store %arg5[%swap3A_251, %swap3A_252], %broadcast_in_dim3A_1 {strides = array<i32>} : memref<40x1024xf32, #tpu.memory_space<vmem>>, vector<16xf32>,
      %swap3A_254 = arith.index_cast %scan3A_103 : i32 to index
      %swap3A_255 = arith.constant 400 : index
      %swap3A_256 = tpu.vector_load %arg4[%swap3A_254, %swap3A_255] {strides = array<i32>} : memref<40x1024xf32, #tpu.memory_space<vmem>>, vector<16xf32>,
      tpu.vector_store %arg4[%swap3A_254, %swap3A_255], %broadcast_in_dim3A_1 {strides = array<i32>} : memref<40x1024xf32, #tpu.memory_space<vmem>>, vector<16xf32>,
      %swap3A_257 = arith.index_cast %scan3A_103 : i32 to index
      %swap3A_258 = arith.constant 400 : index
      %swap3A_259 = tpu.vector_load %arg5[%swap3A_257, %swap3A_258] {strides = array<i32>} : memref<40x1024xf32, #tpu.memory_space<vmem>>, vector<16xf32>,
      tpu.vector_store %arg5[%swap3A_257, %swap3A_258], %broadcast_in_dim3A_1 {strides = array<i32>} : memref<40x1024xf32, #tpu.memory_space<vmem>>, vector<16xf32>,
      %swap3A_260 = arith.index_cast %scan3A_103 : i32 to index
      %swap3A_261 = arith.constant 416 : index
      %swap3A_262 = tpu.vector_load %arg4[%swap3A_260, %swap3A_261] {strides = array<i32>} : memref<40x1024xf32, #tpu.memory_space<vmem>>, vector<16xf32>,
      tpu.vector_store %arg4[%swap3A_260, %swap3A_261], %broadcast_in_dim3A_1 {strides = array<i32>} : memref<40x1024xf32, #tpu.memory_space<vmem>>, vector<16xf32>,
      %swap3A_263 = arith.index_cast %scan3A_103 : i32 to index
      %swap3A_264 = arith.constant 416 : index
      %swap3A_265 = tpu.vector_load %arg5[%swap3A_263, %swap3A_264] {strides = array<i32>} : memref<40x1024xf32, #tpu.memory_space<vmem>>, vector<16xf32>,
      tpu.vector_store %arg5[%swap3A_263, %swap3A_264], %broadcast_in_dim3A_1 {strides = array<i32>} : memref<40x1024xf32, #tpu.memory_space<vmem>>, vector<16xf32>,
      %swap3A_266 = arith.index_cast %scan3A_103 : i32 to index
      %swap3A_267 = arith.constant 432 : index
      %swap3A_268 = tpu.vector_load %arg4[%swap3A_266, %swap3A_267] {strides = array<i32>} : memref<40x1024xf32, #tpu.memory_space<vmem>>, vector<16xf32>,
      tpu.vector_store %arg4[%swap3A_266, %swap3A_267], %broadcast_in_dim3A_1 {strides = array<i32>} : memref<40x1024xf32, #tpu.memory_space<vmem>>, vector<16xf32>,
      %swap3A_269 = arith.index_cast %scan3A_103 : i32 to index
      %swap3A_270 = arith.constant 432 : index
      %swap3A_271 = tpu.vector_load %arg5[%swap3A_269, %swap3A_270] {strides = array<i32>} : memref<40x1024xf32, #tpu.memory_space<vmem>>, vector<16xf32>,
      tpu.vector_store %arg5[%swap3A_269, %swap3A_270], %broadcast_in_dim3A_1 {strides = array<i32>} : memref<40x1024xf32, #tpu.memory_space<vmem>>, vector<16xf32>,
      %swap3A_272 = arith.index_cast %scan3A_103 : i32 to index
      %swap3A_273 = arith.constant 448 : index
      %swap3A_274 = tpu.vector_load %arg4[%swap3A_272, %swap3A_273] {strides = array<i32>} : memref<40x1024xf32, #tpu.memory_space<vmem>>, vector<16xf32>,
      tpu.vector_store %arg4[%swap3A_272, %swap3A_273], %broadcast_in_dim3A_1 {strides = array<i32>} : memref<40x1024xf32, #tpu.memory_space<vmem>>, vector<16xf32>,
      %swap3A_275 = arith.index_cast %scan3A_103 : i32 to index
      %swap3A_276 = arith.constant 448 : index
      %swap3A_277 = tpu.vector_load %arg5[%swap3A_275, %swap3A_276] {strides = array<i32>} : memref<40x1024xf32, #tpu.memory_space<vmem>>, vector<16xf32>,
      tpu.vector_store %arg5[%swap3A_275, %swap3A_276], %broadcast_in_dim3A_1 {strides = array<i32>} : memref<40x1024xf32, #tpu.memory_space<vmem>>, vector<16xf32>,
      %swap3A_278 = arith.index_cast %scan3A_103 : i32 to index
      %swap3A_279 = arith.constant 464 : index
      %swap3A_280 = tpu.vector_load %arg4[%swap3A_278, %swap3A_279] {strides = array<i32>} : memref<40x1024xf32, #tpu.memory_space<vmem>>, vector<16xf32>,
      tpu.vector_store %arg4[%swap3A_278, %swap3A_279], %broadcast_in_dim3A_1 {strides = array<i32>} : memref<40x1024xf32, #tpu.memory_space<vmem>>, vector<16xf32>,
      %swap3A_281 = arith.index_cast %scan3A_103 : i32 to index
      %swap3A_282 = arith.constant 464 : index
      %swap3A_283 = tpu.vector_load %arg5[%swap3A_281, %swap3A_282] {strides = array<i32>} : memref<40x1024xf32, #tpu.memory_space<vmem>>, vector<16xf32>,
      tpu.vector_store %arg5[%swap3A_281, %swap3A_282], %broadcast_in_dim3A_1 {strides = array<i32>} : memref<40x1024xf32, #tpu.memory_space<vmem>>, vector<16xf32>,
      %swap3A_284 = arith.index_cast %scan3A_103 : i32 to index
      %swap3A_285 = arith.constant 480 : index
      %swap3A_286 = tpu.vector_load %arg4[%swap3A_284, %swap3A_285] {strides = array<i32>} : memref<40x1024xf32, #tpu.memory_space<vmem>>, vector<16xf32>,
      tpu.vector_store %arg4[%swap3A_284, %swap3A_285], %broadcast_in_dim3A_1 {strides = array<i32>} : memref<40x1024xf32, #tpu.memory_space<vmem>>, vector<16xf32>,
      %swap3A_287 = arith.index_cast %scan3A_103 : i32 to index
      %swap3A_288 = arith.constant 480 : index
      %swap3A_289 = tpu.vector_load %arg5[%swap3A_287, %swap3A_288] {strides = array<i32>} : memref<40x1024xf32, #tpu.memory_space<vmem>>, vector<16xf32>,
      tpu.vector_store %arg5[%swap3A_287, %swap3A_288], %broadcast_in_dim3A_1 {strides = array<i32>} : memref<40x1024xf32, #tpu.memory_space<vmem>>, vector<16xf32>,
      %swap3A_290 = arith.index_cast %scan3A_103 : i32 to index
      %swap3A_291 = arith.constant 496 : index
      %swap3A_292 = tpu.vector_load %arg4[%swap3A_290, %swap3A_291] {strides = array<i32>} : memref<40x1024xf32, #tpu.memory_space<vmem>>, vector<16xf32>,
      tpu.vector_store %arg4[%swap3A_290, %swap3A_291], %broadcast_in_dim3A_1 {strides = array<i32>} : memref<40x1024xf32, #tpu.memory_space<vmem>>, vector<16xf32>,
      %swap3A_293 = arith.index_cast %scan3A_103 : i32 to index
      %swap3A_294 = arith.constant 496 : index
      %swap3A_295 = tpu.vector_load %arg5[%swap3A_293, %swap3A_294] {strides = array<i32>} : memref<40x1024xf32, #tpu.memory_space<vmem>>, vector<16xf32>,
      tpu.vector_store %arg5[%swap3A_293, %swap3A_294], %broadcast_in_dim3A_1 {strides = array<i32>} : memref<40x1024xf32, #tpu.memory_space<vmem>>, vector<16xf32>,
      %swap3A_296 = arith.index_cast %scan3A_103 : i32 to index
      %swap3A_297 = arith.constant 512 : index
      %swap3A_298 = tpu.vector_load %arg4[%swap3A_296, %swap3A_297] {strides = array<i32>} : memref<40x1024xf32, #tpu.memory_space<vmem>>, vector<16xf32>,
      tpu.vector_store %arg4[%swap3A_296, %swap3A_297], %broadcast_in_dim3A_1 {strides = array<i32>} : memref<40x1024xf32, #tpu.memory_space<vmem>>, vector<16xf32>,
      %swap3A_299 = arith.index_cast %scan3A_103 : i32 to index
      %swap3A_300 = arith.constant 512 : index
      %swap3A_301 = tpu.vector_load %arg5[%swap3A_299, %swap3A_300] {strides = array<i32>} : memref<40x1024xf32, #tpu.memory_space<vmem>>, vector<16xf32>,
      tpu.vector_store %arg5[%swap3A_299, %swap3A_300], %broadcast_in_dim3A_1 {strides = array<i32>} : memref<40x1024xf32, #tpu.memory_space<vmem>>, vector<16xf32>,
      %swap3A_302 = arith.index_cast %scan3A_103 : i32 to index
      %swap3A_303 = arith.constant 528 : index
      %swap3A_304 = tpu.vector_load %arg4[%swap3A_302, %swap3A_303] {strides = array<i32>} : memref<40x1024xf32, #tpu.memory_space<vmem>>, vector<16xf32>,
      tpu.vector_store %arg4[%swap3A_302, %swap3A_303], %broadcast_in_dim3A_1 {strides = array<i32>} : memref<40x1024xf32, #tpu.memory_space<vmem>>, vector<16xf32>,
      %swap3A_305 = arith.index_cast %scan3A_103 : i32 to index
      %swap3A_306 = arith.constant 528 : index
      %swap3A_307 = tpu.vector_load %arg5[%swap3A_305, %swap3A_306] {strides = array<i32>} : memref<40x1024xf32, #tpu.memory_space<vmem>>, vector<16xf32>,
      tpu.vector_store %arg5[%swap3A_305, %swap3A_306], %broadcast_in_dim3A_1 {strides = array<i32>} : memref<40x1024xf32, #tpu.memory_space<vmem>>, vector<16xf32>,
      %swap3A_308 = arith.index_cast %scan3A_103 : i32 to index
      %swap3A_309 = arith.constant 544 : index
      %swap3A_310 = tpu.vector_load %arg4[%swap3A_308, %swap3A_309] {strides = array<i32>} : memref<40x1024xf32, #tpu.memory_space<vmem>>, vector<16xf32>,
      tpu.vector_store %arg4[%swap3A_308, %swap3A_309], %broadcast_in_dim3A_1 {strides = array<i32>} : memref<40x1024xf32, #tpu.memory_space<vmem>>, vector<16xf32>,
      %swap3A_311 = arith.index_cast %scan3A_103 : i32 to index
      %swap3A_312 = arith.constant 544 : index
      %swap3A_313 = tpu.vector_load %arg5[%swap3A_311, %swap3A_312] {strides = array<i32>} : memref<40x1024xf32, #tpu.memory_space<vmem>>, vector<16xf32>,
      tpu.vector_store %arg5[%swap3A_311, %swap3A_312], %broadcast_in_dim3A_1 {strides = array<i32>} : memref<40x1024xf32, #tpu.memory_space<vmem>>, vector<16xf32>,
      %swap3A_314 = arith.index_cast %scan3A_103 : i32 to index
      %swap3A_315 = arith.constant 560 : index
      %swap3A_316 = tpu.vector_load %arg4[%swap3A_314, %swap3A_315] {strides = array<i32>} : memref<40x1024xf32, #tpu.memory_space<vmem>>, vector<16xf32>,
      tpu.vector_store %arg4[%swap3A_314, %swap3A_315], %broadcast_in_dim3A_1 {strides = array<i32>} : memref<40x1024xf32, #tpu.memory_space<vmem>>, vector<16xf32>,
      %swap3A_317 = arith.index_cast %scan3A_103 : i32 to index
      %swap3A_318 = arith.constant 560 : index
      %swap3A_319 = tpu.vector_load %arg5[%swap3A_317, %swap3A_318] {strides = array<i32>} : memref<40x1024xf32, #tpu.memory_space<vmem>>, vector<16xf32>,
      tpu.vector_store %arg5[%swap3A_317, %swap3A_318], %broadcast_in_dim3A_1 {strides = array<i32>} : memref<40x1024xf32, #tpu.memory_space<vmem>>, vector<16xf32>,
      %swap3A_320 = arith.index_cast %scan3A_103 : i32 to index
      %swap3A_321 = arith.constant 576 : index
      %swap3A_322 = tpu.vector_load %arg4[%swap3A_320, %swap3A_321] {strides = array<i32>} : memref<40x1024xf32, #tpu.memory_space<vmem>>, vector<16xf32>,
      tpu.vector_store %arg4[%swap3A_320, %swap3A_321], %broadcast_in_dim3A_1 {strides = array<i32>} : memref<40x1024xf32, #tpu.memory_space<vmem>>, vector<16xf32>,
      %swap3A_323 = arith.index_cast %scan3A_103 : i32 to index
      %swap3A_324 = arith.constant 576 : index
      %swap3A_325 = tpu.vector_load %arg5[%swap3A_323, %swap3A_324] {strides = array<i32>} : memref<40x1024xf32, #tpu.memory_space<vmem>>, vector<16xf32>,
      tpu.vector_store %arg5[%swap3A_323, %swap3A_324], %broadcast_in_dim3A_1 {strides = array<i32>} : memref<40x1024xf32, #tpu.memory_space<vmem>>, vector<16xf32>,
      %swap3A_326 = arith.index_cast %scan3A_103 : i32 to index
      %swap3A_327 = arith.constant 592 : index
      %swap3A_328 = tpu.vector_load %arg4[%swap3A_326, %swap3A_327] {strides = array<i32>} : memref<40x1024xf32, #tpu.memory_space<vmem>>, vector<16xf32>,
      tpu.vector_store %arg4[%swap3A_326, %swap3A_327], %broadcast_in_dim3A_1 {strides = array<i32>} : memref<40x1024xf32, #tpu.memory_space<vmem>>, vector<16xf32>,
      %swap3A_329 = arith.index_cast %scan3A_103 : i32 to index
      %swap3A_330 = arith.constant 592 : index
      %swap3A_331 = tpu.vector_load %arg5[%swap3A_329, %swap3A_330] {strides = array<i32>} : memref<40x1024xf32, #tpu.memory_space<vmem>>, vector<16xf32>,
      tpu.vector_store %arg5[%swap3A_329, %swap3A_330], %broadcast_in_dim3A_1 {strides = array<i32>} : memref<40x1024xf32, #tpu.memory_space<vmem>>, vector<16xf32>,
      %swap3A_332 = arith.index_cast %scan3A_103 : i32 to index
      %swap3A_333 = arith.constant 608 : index
      %swap3A_334 = tpu.vector_load %arg4[%swap3A_332, %swap3A_333] {strides = array<i32>} : memref<40x1024xf32, #tpu.memory_space<vmem>>, vector<16xf32>,
      tpu.vector_store %arg4[%swap3A_332, %swap3A_333], %broadcast_in_dim3A_1 {strides = array<i32>} : memref<40x1024xf32, #tpu.memory_space<vmem>>, vector<16xf32>,
      %swap3A_335 = arith.index_cast %scan3A_103 : i32 to index
      %swap3A_336 = arith.constant 608 : index
      %swap3A_337 = tpu.vector_load %arg5[%swap3A_335, %swap3A_336] {strides = array<i32>} : memref<40x1024xf32, #tpu.memory_space<vmem>>, vector<16xf32>,
      tpu.vector_store %arg5[%swap3A_335, %swap3A_336], %broadcast_in_dim3A_1 {strides = array<i32>} : memref<40x1024xf32, #tpu.memory_space<vmem>>, vector<16xf32>,
      %swap3A_338 = arith.index_cast %scan3A_103 : i32 to index
      %swap3A_339 = arith.constant 624 : index
      %swap3A_340 = tpu.vector_load %arg4[%swap3A_338, %swap3A_339] {strides = array<i32>} : memref<40x1024xf32, #tpu.memory_space<vmem>>, vector<16xf32>,
      tpu.vector_store %arg4[%swap3A_338, %swap3A_339], %broadcast_in_dim3A_1 {strides = array<i32>} : memref<40x1024xf32, #tpu.memory_space<vmem>>, vector<16xf32>,
      %swap3A_341 = arith.index_cast %scan3A_103 : i32 to index
      %swap3A_342 = arith.constant 624 : index
      %swap3A_343 = tpu.vector_load %arg5[%swap3A_341, %swap3A_342] {strides = array<i32>} : memref<40x1024xf32, #tpu.memory_space<vmem>>, vector<16xf32>,
      tpu.vector_store %arg5[%swap3A_341, %swap3A_342], %broadcast_in_dim3A_1 {strides = array<i32>} : memref<40x1024xf32, #tpu.memory_space<vmem>>, vector<16xf32>,
      %swap3A_344 = arith.index_cast %scan3A_103 : i32 to index
      %swap3A_345 = arith.constant 640 : index
      %swap3A_346 = tpu.vector_load %arg4[%swap3A_344, %swap3A_345] {strides = array<i32>} : memref<40x1024xf32, #tpu.memory_space<vmem>>, vector<16xf32>,
      tpu.vector_store %arg4[%swap3A_344, %swap3A_345], %broadcast_in_dim3A_1 {strides = array<i32>} : memref<40x1024xf32, #tpu.memory_space<vmem>>, vector<16xf32>,
      %swap3A_347 = arith.index_cast %scan3A_103 : i32 to index
      %swap3A_348 = arith.constant 640 : index
      %swap3A_349 = tpu.vector_load %arg5[%swap3A_347, %swap3A_348] {strides = array<i32>} : memref<40x1024xf32, #tpu.memory_space<vmem>>, vector<16xf32>,
      tpu.vector_store %arg5[%swap3A_347, %swap3A_348], %broadcast_in_dim3A_1 {strides = array<i32>} : memref<40x1024xf32, #tpu.memory_space<vmem>>, vector<16xf32>,
      %swap3A_350 = arith.index_cast %scan3A_103 : i32 to index
      %swap3A_351 = arith.constant 656 : index
      %swap3A_352 = tpu.vector_load %arg4[%swap3A_350, %swap3A_351] {strides = array<i32>} : memref<40x1024xf32, #tpu.memory_space<vmem>>, vector<16xf32>,
      tpu.vector_store %arg4[%swap3A_350, %swap3A_351], %broadcast_in_dim3A_1 {strides = array<i32>} : memref<40x1024xf32, #tpu.memory_space<vmem>>, vector<16xf32>,
      %swap3A_353 = arith.index_cast %scan3A_103 : i32 to index
      %swap3A_354 = arith.constant 656 : index
      %swap3A_355 = tpu.vector_load %arg5[%swap3A_353, %swap3A_354] {strides = array<i32>} : memref<40x1024xf32, #tpu.memory_space<vmem>>, vector<16xf32>,
      tpu.vector_store %arg5[%swap3A_353, %swap3A_354], %broadcast_in_dim3A_1 {strides = array<i32>} : memref<40x1024xf32, #tpu.memory_space<vmem>>, vector<16xf32>,
      %swap3A_356 = arith.index_cast %scan3A_103 : i32 to index
      %swap3A_357 = arith.constant 672 : index
      %swap3A_358 = tpu.vector_load %arg4[%swap3A_356, %swap3A_357] {strides = array<i32>} : memref<40x1024xf32, #tpu.memory_space<vmem>>, vector<16xf32>,
      tpu.vector_store %arg4[%swap3A_356, %swap3A_357], %broadcast_in_dim3A_1 {strides = array<i32>} : memref<40x1024xf32, #tpu.memory_space<vmem>>, vector<16xf32>,
      %swap3A_359 = arith.index_cast %scan3A_103 : i32 to index
      %swap3A_360 = arith.constant 672 : index
      %swap3A_361 = tpu.vector_load %arg5[%swap3A_359, %swap3A_360] {strides = array<i32>} : memref<40x1024xf32, #tpu.memory_space<vmem>>, vector<16xf32>,
      tpu.vector_store %arg5[%swap3A_359, %swap3A_360], %broadcast_in_dim3A_1 {strides = array<i32>} : memref<40x1024xf32, #tpu.memory_space<vmem>>, vector<16xf32>,
      %swap3A_362 = arith.index_cast %scan3A_103 : i32 to index
      %swap3A_363 = arith.constant 688 : index
      %swap3A_364 = tpu.vector_load %arg4[%swap3A_362, %swap3A_363] {strides = array<i32>} : memref<40x1024xf32, #tpu.memory_space<vmem>>, vector<16xf32>,
      tpu.vector_store %arg4[%swap3A_362, %swap3A_363], %broadcast_in_dim3A_1 {strides = array<i32>} : memref<40x1024xf32, #tpu.memory_space<vmem>>, vector<16xf32>,
      %swap3A_365 = arith.index_cast %scan3A_103 : i32 to index
      %swap3A_366 = arith.constant 688 : index
      %swap3A_367 = tpu.vector_load %arg5[%swap3A_365, %swap3A_366] {strides = array<i32>} : memref<40x1024xf32, #tpu.memory_space<vmem>>, vector<16xf32>,
      tpu.vector_store %arg5[%swap3A_365, %swap3A_366], %broadcast_in_dim3A_1 {strides = array<i32>} : memref<40x1024xf32, #tpu.memory_space<vmem>>, vector<16xf32>,
      %swap3A_368 = arith.index_cast %scan3A_103 : i32 to index
      %swap3A_369 = arith.constant 704 : index
      %swap3A_370 = tpu.vector_load %arg4[%swap3A_368, %swap3A_369] {strides = array<i32>} : memref<40x1024xf32, #tpu.memory_space<vmem>>, vector<16xf32>,
      tpu.vector_store %arg4[%swap3A_368, %swap3A_369], %broadcast_in_dim3A_1 {strides = array<i32>} : memref<40x1024xf32, #tpu.memory_space<vmem>>, vector<16xf32>,
      %swap3A_371 = arith.index_cast %scan3A_103 : i32 to index
      %swap3A_372 = arith.constant 704 : index
      %swap3A_373 = tpu.vector_load %arg5[%swap3A_371, %swap3A_372] {strides = array<i32>} : memref<40x1024xf32, #tpu.memory_space<vmem>>, vector<16xf32>,
      tpu.vector_store %arg5[%swap3A_371, %swap3A_372], %broadcast_in_dim3A_1 {strides = array<i32>} : memref<40x1024xf32, #tpu.memory_space<vmem>>, vector<16xf32>,
      %swap3A_374 = arith.index_cast %scan3A_103 : i32 to index
      %swap3A_375 = arith.constant 720 : index
      %swap3A_376 = tpu.vector_load %arg4[%swap3A_374, %swap3A_375] {strides = array<i32>} : memref<40x1024xf32, #tpu.memory_space<vmem>>, vector<16xf32>,
      tpu.vector_store %arg4[%swap3A_374, %swap3A_375], %broadcast_in_dim3A_1 {strides = array<i32>} : memref<40x1024xf32, #tpu.memory_space<vmem>>, vector<16xf32>,
      %swap3A_377 = arith.index_cast %scan3A_103 : i32 to index
      %swap3A_378 = arith.constant 720 : index
      %swap3A_379 = tpu.vector_load %arg5[%swap3A_377, %swap3A_378] {strides = array<i32>} : memref<40x1024xf32, #tpu.memory_space<vmem>>, vector<16xf32>,
      tpu.vector_store %arg5[%swap3A_377, %swap3A_378], %broadcast_in_dim3A_1 {strides = array<i32>} : memref<40x1024xf32, #tpu.memory_space<vmem>>, vector<16xf32>,
      %swap3A_380 = arith.index_cast %scan3A_103 : i32 to index
      %swap3A_381 = arith.constant 736 : index
      %swap3A_382 = tpu.vector_load %arg4[%swap3A_380, %swap3A_381] {strides = array<i32>} : memref<40x1024xf32, #tpu.memory_space<vmem>>, vector<16xf32>,
      tpu.vector_store %arg4[%swap3A_380, %swap3A_381], %broadcast_in_dim3A_1 {strides = array<i32>} : memref<40x1024xf32, #tpu.memory_space<vmem>>, vector<16xf32>,
      %swap3A_383 = arith.index_cast %scan3A_103 : i32 to index
      %swap3A_384 = arith.constant 736 : index
      %swap3A_385 = tpu.vector_load %arg5[%swap3A_383, %swap3A_384] {strides = array<i32>} : memref<40x1024xf32, #tpu.memory_space<vmem>>, vector<16xf32>,
      tpu.vector_store %arg5[%swap3A_383, %swap3A_384], %broadcast_in_dim3A_1 {strides = array<i32>} : memref<40x1024xf32, #tpu.memory_space<vmem>>, vector<16xf32>,
      %swap3A_386 = arith.index_cast %scan3A_103 : i32 to index
      %swap3A_387 = arith.constant 752 : index
      %swap3A_388 = tpu.vector_load %arg4[%swap3A_386, %swap3A_387] {strides = array<i32>} : memref<40x1024xf32, #tpu.memory_space<vmem>>, vector<16xf32>,
      tpu.vector_store %arg4[%swap3A_386, %swap3A_387], %broadcast_in_dim3A_1 {strides = array<i32>} : memref<40x1024xf32, #tpu.memory_space<vmem>>, vector<16xf32>,
      %swap3A_389 = arith.index_cast %scan3A_103 : i32 to index
      %swap3A_390 = arith.constant 752 : index
      %swap3A_391 = tpu.vector_load %arg5[%swap3A_389, %swap3A_390] {strides = array<i32>} : memref<40x1024xf32, #tpu.memory_space<vmem>>, vector<16xf32>,
      tpu.vector_store %arg5[%swap3A_389, %swap3A_390], %broadcast_in_dim3A_1 {strides = array<i32>} : memref<40x1024xf32, #tpu.memory_space<vmem>>, vector<16xf32>,
      %swap3A_392 = arith.index_cast %scan3A_103 : i32 to index
      %swap3A_393 = arith.constant 768 : index
      %swap3A_394 = tpu.vector_load %arg4[%swap3A_392, %swap3A_393] {strides = array<i32>} : memref<40x1024xf32, #tpu.memory_space<vmem>>, vector<16xf32>,
      tpu.vector_store %arg4[%swap3A_392, %swap3A_393], %broadcast_in_dim3A_1 {strides = array<i32>} : memref<40x1024xf32, #tpu.memory_space<vmem>>, vector<16xf32>,
      %swap3A_395 = arith.index_cast %scan3A_103 : i32 to index
      %swap3A_396 = arith.constant 768 : index
      %swap3A_397 = tpu.vector_load %arg5[%swap3A_395, %swap3A_396] {strides = array<i32>} : memref<40x1024xf32, #tpu.memory_space<vmem>>, vector<16xf32>,
      tpu.vector_store %arg5[%swap3A_395, %swap3A_396], %broadcast_in_dim3A_1 {strides = array<i32>} : memref<40x1024xf32, #tpu.memory_space<vmem>>, vector<16xf32>,
      %swap3A_398 = arith.index_cast %scan3A_103 : i32 to index
      %swap3A_399 = arith.constant 784 : index
      %swap3A_400 = tpu.vector_load %arg4[%swap3A_398, %swap3A_399] {strides = array<i32>} : memref<40x1024xf32, #tpu.memory_space<vmem>>, vector<16xf32>,
      tpu.vector_store %arg4[%swap3A_398, %swap3A_399], %broadcast_in_dim3A_1 {strides = array<i32>} : memref<40x1024xf32, #tpu.memory_space<vmem>>, vector<16xf32>,
      %swap3A_401 = arith.index_cast %scan3A_103 : i32 to index
      %swap3A_402 = arith.constant 784 : index
      %swap3A_403 = tpu.vector_load %arg5[%swap3A_401, %swap3A_402] {strides = array<i32>} : memref<40x1024xf32, #tpu.memory_space<vmem>>, vector<16xf32>,
      tpu.vector_store %arg5[%swap3A_401, %swap3A_402], %broadcast_in_dim3A_1 {strides = array<i32>} : memref<40x1024xf32, #tpu.memory_space<vmem>>, vector<16xf32>,
      %swap3A_404 = arith.index_cast %scan3A_103 : i32 to index
      %swap3A_405 = arith.constant 800 : index
      %swap3A_406 = tpu.vector_load %arg4[%swap3A_404, %swap3A_405] {strides = array<i32>} : memref<40x1024xf32, #tpu.memory_space<vmem>>, vector<16xf32>,
      tpu.vector_store %arg4[%swap3A_404, %swap3A_405], %broadcast_in_dim3A_1 {strides = array<i32>} : memref<40x1024xf32, #tpu.memory_space<vmem>>, vector<16xf32>,
      %swap3A_407 = arith.index_cast %scan3A_103 : i32 to index
      %swap3A_408 = arith.constant 800 : index
      %swap3A_409 = tpu.vector_load %arg5[%swap3A_407, %swap3A_408] {strides = array<i32>} : memref<40x1024xf32, #tpu.memory_space<vmem>>, vector<16xf32>,
      tpu.vector_store %arg5[%swap3A_407, %swap3A_408], %broadcast_in_dim3A_1 {strides = array<i32>} : memref<40x1024xf32, #tpu.memory_space<vmem>>, vector<16xf32>,
      %swap3A_410 = arith.index_cast %scan3A_103 : i32 to index
      %swap3A_411 = arith.constant 816 : index
      %swap3A_412 = tpu.vector_load %arg4[%swap3A_410, %swap3A_411] {strides = array<i32>} : memref<40x1024xf32, #tpu.memory_space<vmem>>, vector<16xf32>,
      tpu.vector_store %arg4[%swap3A_410, %swap3A_411], %broadcast_in_dim3A_1 {strides = array<i32>} : memref<40x1024xf32, #tpu.memory_space<vmem>>, vector<16xf32>,
      %swap3A_413 = arith.index_cast %scan3A_103 : i32 to index
      %swap3A_414 = arith.constant 816 : index
      %swap3A_415 = tpu.vector_load %arg5[%swap3A_413, %swap3A_414] {strides = array<i32>} : memref<40x1024xf32, #tpu.memory_space<vmem>>, vector<16xf32>,
      tpu.vector_store %arg5[%swap3A_413, %swap3A_414], %broadcast_in_dim3A_1 {strides = array<i32>} : memref<40x1024xf32, #tpu.memory_space<vmem>>, vector<16xf32>,
      %swap3A_416 = arith.index_cast %scan3A_103 : i32 to index
      %swap3A_417 = arith.constant 832 : index
      %swap3A_418 = tpu.vector_load %arg4[%swap3A_416, %swap3A_417] {strides = array<i32>} : memref<40x1024xf32, #tpu.memory_space<vmem>>, vector<16xf32>,
      tpu.vector_store %arg4[%swap3A_416, %swap3A_417], %broadcast_in_dim3A_1 {strides = array<i32>} : memref<40x1024xf32, #tpu.memory_space<vmem>>, vector<16xf32>,
      %swap3A_419 = arith.index_cast %scan3A_103 : i32 to index
      %swap3A_420 = arith.constant 832 : index
      %swap3A_421 = tpu.vector_load %arg5[%swap3A_419, %swap3A_420] {strides = array<i32>} : memref<40x1024xf32, #tpu.memory_space<vmem>>, vector<16xf32>,
      tpu.vector_store %arg5[%swap3A_419, %swap3A_420], %broadcast_in_dim3A_1 {strides = array<i32>} : memref<40x1024xf32, #tpu.memory_space<vmem>>, vector<16xf32>,
      %swap3A_422 = arith.index_cast %scan3A_103 : i32 to index
      %swap3A_423 = arith.constant 848 : index
      %swap3A_424 = tpu.vector_load %arg4[%swap3A_422, %swap3A_423] {strides = array<i32>} : memref<40x1024xf32, #tpu.memory_space<vmem>>, vector<16xf32>,
      tpu.vector_store %arg4[%swap3A_422, %swap3A_423], %broadcast_in_dim3A_1 {strides = array<i32>} : memref<40x1024xf32, #tpu.memory_space<vmem>>, vector<16xf32>,
      %swap3A_425 = arith.index_cast %scan3A_103 : i32 to index
      %swap3A_426 = arith.constant 848 : index
      %swap3A_427 = tpu.vector_load %arg5[%swap3A_425, %swap3A_426] {strides = array<i32>} : memref<40x1024xf32, #tpu.memory_space<vmem>>, vector<16xf32>,
      tpu.vector_store %arg5[%swap3A_425, %swap3A_426], %broadcast_in_dim3A_1 {strides = array<i32>} : memref<40x1024xf32, #tpu.memory_space<vmem>>, vector<16xf32>,
      %swap3A_428 = arith.index_cast %scan3A_103 : i32 to index
      %swap3A_429 = arith.constant 864 : index
      %swap3A_430 = tpu.vector_load %arg4[%swap3A_428, %swap3A_429] {strides = array<i32>} : memref<40x1024xf32, #tpu.memory_space<vmem>>, vector<16xf32>,
      tpu.vector_store %arg4[%swap3A_428, %swap3A_429], %broadcast_in_dim3A_1 {strides = array<i32>} : memref<40x1024xf32, #tpu.memory_space<vmem>>, vector<16xf32>,
      %swap3A_431 = arith.index_cast %scan3A_103 : i32 to index
      %swap3A_432 = arith.constant 864 : index
      %swap3A_433 = tpu.vector_load %arg5[%swap3A_431, %swap3A_432] {strides = array<i32>} : memref<40x1024xf32, #tpu.memory_space<vmem>>, vector<16xf32>,
      tpu.vector_store %arg5[%swap3A_431, %swap3A_432], %broadcast_in_dim3A_1 {strides = array<i32>} : memref<40x1024xf32, #tpu.memory_space<vmem>>, vector<16xf32>,
      %swap3A_434 = arith.index_cast %scan3A_103 : i32 to index
      %swap3A_435 = arith.constant 880 : index
      %swap3A_436 = tpu.vector_load %arg4[%swap3A_434, %swap3A_435] {strides = array<i32>} : memref<40x1024xf32, #tpu.memory_space<vmem>>, vector<16xf32>,
      tpu.vector_store %arg4[%swap3A_434, %swap3A_435], %broadcast_in_dim3A_1 {strides = array<i32>} : memref<40x1024xf32, #tpu.memory_space<vmem>>, vector<16xf32>,
      %swap3A_437 = arith.index_cast %scan3A_103 : i32 to index
      %swap3A_438 = arith.constant 880 : index
      %swap3A_439 = tpu.vector_load %arg5[%swap3A_437, %swap3A_438] {strides = array<i32>} : memref<40x1024xf32, #tpu.memory_space<vmem>>, vector<16xf32>,
      tpu.vector_store %arg5[%swap3A_437, %swap3A_438], %broadcast_in_dim3A_1 {strides = array<i32>} : memref<40x1024xf32, #tpu.memory_space<vmem>>, vector<16xf32>,
      %swap3A_440 = arith.index_cast %scan3A_103 : i32 to index
      %swap3A_441 = arith.constant 896 : index
      %swap3A_442 = tpu.vector_load %arg4[%swap3A_440, %swap3A_441] {strides = array<i32>} : memref<40x1024xf32, #tpu.memory_space<vmem>>, vector<16xf32>,
      tpu.vector_store %arg4[%swap3A_440, %swap3A_441], %broadcast_in_dim3A_1 {strides = array<i32>} : memref<40x1024xf32, #tpu.memory_space<vmem>>, vector<16xf32>,
      %swap3A_443 = arith.index_cast %scan3A_103 : i32 to index
      %swap3A_444 = arith.constant 896 : index
      %swap3A_445 = tpu.vector_load %arg5[%swap3A_443, %swap3A_444] {strides = array<i32>} : memref<40x1024xf32, #tpu.memory_space<vmem>>, vector<16xf32>,
      tpu.vector_store %arg5[%swap3A_443, %swap3A_444], %broadcast_in_dim3A_1 {strides = array<i32>} : memref<40x1024xf32, #tpu.memory_space<vmem>>, vector<16xf32>,
      %swap3A_446 = arith.index_cast %scan3A_103 : i32 to index
      %swap3A_447 = arith.constant 912 : index
      %swap3A_448 = tpu.vector_load %arg4[%swap3A_446, %swap3A_447] {strides = array<i32>} : memref<40x1024xf32, #tpu.memory_space<vmem>>, vector<16xf32>,
      tpu.vector_store %arg4[%swap3A_446, %swap3A_447], %broadcast_in_dim3A_1 {strides = array<i32>} : memref<40x1024xf32, #tpu.memory_space<vmem>>, vector<16xf32>,
      %swap3A_449 = arith.index_cast %scan3A_103 : i32 to index
      %swap3A_450 = arith.constant 912 : index
      %swap3A_451 = tpu.vector_load %arg5[%swap3A_449, %swap3A_450] {strides = array<i32>} : memref<40x1024xf32, #tpu.memory_space<vmem>>, vector<16xf32>,
      tpu.vector_store %arg5[%swap3A_449, %swap3A_450], %broadcast_in_dim3A_1 {strides = array<i32>} : memref<40x1024xf32, #tpu.memory_space<vmem>>, vector<16xf32>,
      %swap3A_452 = arith.index_cast %scan3A_103 : i32 to index
      %swap3A_453 = arith.constant 928 : index
      %swap3A_454 = tpu.vector_load %arg4[%swap3A_452, %swap3A_453] {strides = array<i32>} : memref<40x1024xf32, #tpu.memory_space<vmem>>, vector<16xf32>,
      tpu.vector_store %arg4[%swap3A_452, %swap3A_453], %broadcast_in_dim3A_1 {strides = array<i32>} : memref<40x1024xf32, #tpu.memory_space<vmem>>, vector<16xf32>,
      %swap3A_455 = arith.index_cast %scan3A_103 : i32 to index
      %swap3A_456 = arith.constant 928 : index
      %swap3A_457 = tpu.vector_load %arg5[%swap3A_455, %swap3A_456] {strides = array<i32>} : memref<40x1024xf32, #tpu.memory_space<vmem>>, vector<16xf32>,
      tpu.vector_store %arg5[%swap3A_455, %swap3A_456], %broadcast_in_dim3A_1 {strides = array<i32>} : memref<40x1024xf32, #tpu.memory_space<vmem>>, vector<16xf32>,
      %swap3A_458 = arith.index_cast %scan3A_103 : i32 to index
      %swap3A_459 = arith.constant 944 : index
      %swap3A_460 = tpu.vector_load %arg4[%swap3A_458, %swap3A_459] {strides = array<i32>} : memref<40x1024xf32, #tpu.memory_space<vmem>>, vector<16xf32>,
      tpu.vector_store %arg4[%swap3A_458, %swap3A_459], %broadcast_in_dim3A_1 {strides = array<i32>} : memref<40x1024xf32, #tpu.memory_space<vmem>>, vector<16xf32>,
      %swap3A_461 = arith.index_cast %scan3A_103 : i32 to index
      %swap3A_462 = arith.constant 944 : index
      %swap3A_463 = tpu.vector_load %arg5[%swap3A_461, %swap3A_462] {strides = array<i32>} : memref<40x1024xf32, #tpu.memory_space<vmem>>, vector<16xf32>,
      tpu.vector_store %arg5[%swap3A_461, %swap3A_462], %broadcast_in_dim3A_1 {strides = array<i32>} : memref<40x1024xf32, #tpu.memory_space<vmem>>, vector<16xf32>,
      %swap3A_464 = arith.index_cast %scan3A_103 : i32 to index
      %swap3A_465 = arith.constant 960 : index
      %swap3A_466 = tpu.vector_load %arg4[%swap3A_464, %swap3A_465] {strides = array<i32>} : memref<40x1024xf32, #tpu.memory_space<vmem>>, vector<16xf32>,
      tpu.vector_store %arg4[%swap3A_464, %swap3A_465], %broadcast_in_dim3A_1 {strides = array<i32>} : memref<40x1024xf32, #tpu.memory_space<vmem>>, vector<16xf32>,
      %swap3A_467 = arith.index_cast %scan3A_103 : i32 to index
      %swap3A_468 = arith.constant 960 : index
      %swap3A_469 = tpu.vector_load %arg5[%swap3A_467, %swap3A_468] {strides = array<i32>} : memref<40x1024xf32, #tpu.memory_space<vmem>>, vector<16xf32>,
      tpu.vector_store %arg5[%swap3A_467, %swap3A_468], %broadcast_in_dim3A_1 {strides = array<i32>} : memref<40x1024xf32, #tpu.memory_space<vmem>>, vector<16xf32>,
      %swap3A_470 = arith.index_cast %scan3A_103 : i32 to index
      %swap3A_471 = arith.constant 976 : index
      %swap3A_472 = tpu.vector_load %arg4[%swap3A_470, %swap3A_471] {strides = array<i32>} : memref<40x1024xf32, #tpu.memory_space<vmem>>, vector<16xf32>,
      tpu.vector_store %arg4[%swap3A_470, %swap3A_471], %broadcast_in_dim3A_1 {strides = array<i32>} : memref<40x1024xf32, #tpu.memory_space<vmem>>, vector<16xf32>,
      %swap3A_473 = arith.index_cast %scan3A_103 : i32 to index
      %swap3A_474 = arith.constant 976 : index
      %swap3A_475 = tpu.vector_load %arg5[%swap3A_473, %swap3A_474] {strides = array<i32>} : memref<40x1024xf32, #tpu.memory_space<vmem>>, vector<16xf32>,
      tpu.vector_store %arg5[%swap3A_473, %swap3A_474], %broadcast_in_dim3A_1 {strides = array<i32>} : memref<40x1024xf32, #tpu.memory_space<vmem>>, vector<16xf32>,
      %swap3A_476 = arith.index_cast %scan3A_103 : i32 to index
      %swap3A_477 = arith.constant 992 : index
      %swap3A_478 = tpu.vector_load %arg4[%swap3A_476, %swap3A_477] {strides = array<i32>} : memref<40x1024xf32, #tpu.memory_space<vmem>>, vector<16xf32>,
      tpu.vector_store %arg4[%swap3A_476, %swap3A_477], %broadcast_in_dim3A_1 {strides = array<i32>} : memref<40x1024xf32, #tpu.memory_space<vmem>>, vector<16xf32>,
      %swap3A_479 = arith.index_cast %scan3A_103 : i32 to index
      %swap3A_480 = arith.constant 992 : index
      %swap3A_481 = tpu.vector_load %arg5[%swap3A_479, %swap3A_480] {strides = array<i32>} : memref<40x1024xf32, #tpu.memory_space<vmem>>, vector<16xf32>,
      tpu.vector_store %arg5[%swap3A_479, %swap3A_480], %broadcast_in_dim3A_1 {strides = array<i32>} : memref<40x1024xf32, #tpu.memory_space<vmem>>, vector<16xf32>,
      %swap3A_482 = arith.index_cast %scan3A_103 : i32 to index
      %swap3A_483 = arith.constant 1008 : index
      %swap3A_484 = tpu.vector_load %arg4[%swap3A_482, %swap3A_483] {strides = array<i32>} : memref<40x1024xf32, #tpu.memory_space<vmem>>, vector<16xf32>,
      tpu.vector_store %arg4[%swap3A_482, %swap3A_483], %broadcast_in_dim3A_1 {strides = array<i32>} : memref<40x1024xf32, #tpu.memory_space<vmem>>, vector<16xf32>,
      %swap3A_485 = arith.index_cast %scan3A_103 : i32 to index
      %swap3A_486 = arith.constant 1008 : index
      %swap3A_487 = tpu.vector_load %arg5[%swap3A_485, %swap3A_486] {strides = array<i32>} : memref<40x1024xf32, #tpu.memory_space<vmem>>, vector<16xf32>,
      tpu.vector_store %arg5[%swap3A_485, %swap3A_486], %broadcast_in_dim3A_1 {strides = array<i32>} : memref<40x1024xf32, #tpu.memory_space<vmem>>, vector<16xf32>,
      %scan3A_488 = arith.constant 0 : i32
      scf.yield %scan3A_488 : i32
    }
    %scan3A_9 = arith.constant 40 : i32
    %scan3A_10 = arith.constant 0 : i32
    %scan3A_11 = arith.constant 0 : i32
    %scan3A_12 = arith.constant 20 : i32
    %scan3A_13 = arith.addi %scan3A_11, %scan3A_12 : i32
    %scan3A_14 = arith.constant 1 : i32
    %scan3A_15 = scf.for %scan3A_103 = %scan3A_11 to %scan3A_13 step %scan3A_14 iter_args(%scan3A_104 = %scan3A_10) -> (i32)  : i32 {
      %mul3A_105 = arith.constant 2 : i32
      %mul3A_106 = arith.muli %mul3A_105, %scan3A_103 : i32
      %add3A_107 = arith.constant 0 : i32
      %add3A_108 = arith.addi %mul3A_106, %add3A_107 : i32
      %mul3A_109 = arith.constant 32 : i32
      %mul3A_110 = arith.muli %add3A_108, %mul3A_109 : i32
      %add3A_111 = arith.addi %mul3A_110, %add3A : i32
      %sub3A_112 = arith.constant 64 : i32
      %sub3A_113 = arith.subi %add3A_111, %sub3A_112 : i32
      %jit3A_114 = arith.constant 25 : i32
      %div3A_115 = arith.divsi %add3A_111, %jit3A_114 : i32
      %sign3A_116 = arith.constant 0 : i32
      %sign3A_117 = arith.cmpi sgt, %add3A_111, %sign3A_116 : i32
      %sign3A_118 = arith.extui %sign3A_117 : i1 to i32
      %sign3A_119 = arith.constant 0 : i32
      %sign3A_120 = arith.cmpi slt, %add3A_111, %sign3A_119 : i32
      %sign3A_121 = arith.extui %sign3A_120 : i1 to i32
      %sign3A_122 = arith.subi %sign3A_118, %sign3A_121 : i32
      %sign3A_123 = arith.constant 0 : i32
      %sign3A_124 = arith.cmpi sgt, %jit3A_114, %sign3A_123 : i32
      %sign3A_125 = arith.extui %sign3A_124 : i1 to i32
      %sign3A_126 = arith.constant 0 : i32
      %sign3A_127 = arith.cmpi slt, %jit3A_114, %sign3A_126 : i32
      %sign3A_128 = arith.extui %sign3A_127 : i1 to i32
      %sign3A_129 = arith.subi %sign3A_125, %sign3A_128 : i32
      %ne3A_130 = arith.cmpi ne, %sign3A_122, %sign3A_129 : i32
      %rem3A_131 = arith.remsi %add3A_111, %jit3A_114 : i32
      %ne3A_132 = arith.constant 0 : i32
      %ne3A_133 = arith.cmpi ne, %rem3A_131, %ne3A_132 : i32
      %and3A_134 = arith.andi %ne3A_130, %ne3A_133 : i1
      %sub3A_135 = arith.constant 1 : i32
      %sub3A_136 = arith.subi %div3A_115, %sub3A_135 : i32
      %select_n3A_137 = arith.select %and3A_134, %sub3A_136, %div3A_115 : i32
      %jit3A_138 = arith.constant 25 : i32
      %eq3A_139 = arith.constant 0 : i32
      %eq3A_140 = arith.cmpi eq, %jit3A_138, %eq3A_139 : i32
      %jit3A_141 = arith.constant 1 : i32
      %select_n3A_142 = arith.select %eq3A_140, %jit3A_141, %jit3A_138 : i32
      %rem3A_143 = arith.remsi %add3A_111, %select_n3A_142 : i32
      %ne3A_144 = arith.constant 0 : i32
      %ne3A_145 = arith.cmpi ne, %rem3A_143, %ne3A_144 : i32
      %lt3A_146 = arith.constant 0 : i32
      %lt3A_147 = arith.cmpi slt, %rem3A_143, %lt3A_146 : i32
      %lt3A_148 = arith.constant 0 : i32
      %lt3A_149 = arith.cmpi slt, %select_n3A_142, %lt3A_148 : i32
      %ne3A_150 = arith.xori %lt3A_147, %lt3A_149 : i1
      %and3A_151 = arith.andi %ne3A_150, %ne3A_145 : i1
      %add3A_152 = arith.addi %rem3A_143, %select_n3A_142 : i32
      %select_n3A_153 = arith.select %and3A_151, %add3A_152, %rem3A_143 : i32
      %mul3A_154 = arith.constant 40 : i32
      %mul3A_155 = arith.muli %select_n3A_153, %mul3A_154 : i32
      %jit3A_156 = arith.constant 25 : i32
      %div3A_157 = arith.divsi %sub3A_113, %jit3A_156 : i32
      %sign3A_158 = arith.constant 0 : i32
      %sign3A_159 = arith.cmpi sgt, %sub3A_113, %sign3A_158 : i32
      %sign3A_160 = arith.extui %sign3A_159 : i1 to i32
      %sign3A_161 = arith.constant 0 : i32
      %sign3A_162 = arith.cmpi slt, %sub3A_113, %sign3A_161 : i32
      %sign3A_163 = arith.extui %sign3A_162 : i1 to i32
      %sign3A_164 = arith.subi %sign3A_160, %sign3A_163 : i32
      %sign3A_165 = arith.constant 0 : i32
      %sign3A_166 = arith.cmpi sgt, %jit3A_156, %sign3A_165 : i32
      %sign3A_167 = arith.extui %sign3A_166 : i1 to i32
      %sign3A_168 = arith.constant 0 : i32
      %sign3A_169 = arith.cmpi slt, %jit3A_156, %sign3A_168 : i32
      %sign3A_170 = arith.extui %sign3A_169 : i1 to i32
      %sign3A_171 = arith.subi %sign3A_167, %sign3A_170 : i32
      %ne3A_172 = arith.cmpi ne, %sign3A_164, %sign3A_171 : i32
      %rem3A_173 = arith.remsi %sub3A_113, %jit3A_156 : i32
      %ne3A_174 = arith.constant 0 : i32
      %ne3A_175 = arith.cmpi ne, %rem3A_173, %ne3A_174 : i32
      %and3A_176 = arith.andi %ne3A_172, %ne3A_175 : i1
      %sub3A_177 = arith.constant 1 : i32
      %sub3A_178 = arith.subi %div3A_157, %sub3A_177 : i32
      %select_n3A_179 = arith.select %and3A_176, %sub3A_178, %div3A_157 : i32
      %jit3A_180 = arith.constant 25 : i32
      %eq3A_181 = arith.constant 0 : i32
      %eq3A_182 = arith.cmpi eq, %jit3A_180, %eq3A_181 : i32
      %jit3A_183 = arith.constant 1 : i32
      %select_n3A_184 = arith.select %eq3A_182, %jit3A_183, %jit3A_180 : i32
      %rem3A_185 = arith.remsi %sub3A_113, %select_n3A_184 : i32
      %ne3A_186 = arith.constant 0 : i32
      %ne3A_187 = arith.cmpi ne, %rem3A_185, %ne3A_186 : i32
      %lt3A_188 = arith.constant 0 : i32
      %lt3A_189 = arith.cmpi slt, %rem3A_185, %lt3A_188 : i32
      %lt3A_190 = arith.constant 0 : i32
      %lt3A_191 = arith.cmpi slt, %select_n3A_184, %lt3A_190 : i32
      %ne3A_192 = arith.xori %lt3A_189, %lt3A_191 : i1
      %and3A_193 = arith.andi %ne3A_192, %ne3A_187 : i1
      %add3A_194 = arith.addi %rem3A_185, %select_n3A_184 : i32
      %select_n3A_195 = arith.select %and3A_193, %add3A_194, %rem3A_185 : i32
      %mul3A_196 = arith.constant 40 : i32
      %mul3A_197 = arith.muli %select_n3A_195, %mul3A_196 : i32
      %gt3A = arith.constant 0 : i32
      %gt3A_198 = arith.cmpi sgt, %scan3A_103, %gt3A : i32
      %convert_element_type3A_199 = arith.extui %gt3A_198 : i1 to i32
      %cond3A_200 = arith.constant 0 : i32
      %cond3A_201 = arith.cmpi ne, %convert_element_type3A_199, %cond3A_200 : i32
      scf.if %cond3A_201 {
        %dma_wait3A = arith.constant 0 : i32
        %dma_wait3A_311 = tpu.memref_slice %arg3[%select_n3A_179, %mul3A_197, %dma_wait3A] : memref<50x1000x1024xf32, #tpu.memory_space<hbm>> -> memref<1x40x1024xf32, #tpu.memory_space<hbm>>
        %dma_wait3A_312 = tpu.memref_squeeze %dma_wait3A_311 : memref<1x40x1024xf32, #tpu.memory_space<hbm>> -> memref<40x1024xf32, #tpu.memory_space<hbm>>
        %dma_wait3A_313 = arith.constant 0 : i32
        %dma_wait3A_314 = tpu.memref_slice %arg3[%select_n3A_179, %mul3A_197, %dma_wait3A_313] : memref<50x1000x1024xf32, #tpu.memory_space<hbm>> -> memref<1x40x1024xf32, #tpu.memory_space<hbm>>
        %dma_wait3A_315 = tpu.memref_squeeze %dma_wait3A_314 : memref<1x40x1024xf32, #tpu.memory_space<hbm>> -> memref<40x1024xf32, #tpu.memory_space<hbm>>
        tpu.wait_dma2 semaphore(%arg8 : memref<!tpu.dma_semaphore, #tpu.memory_space<semaphore_mem>>) src(%arg4 : memref<40x1024xf32, #tpu.memory_space<vmem>>) dst(%dma_wait3A_315 : memref<40x1024xf32, #tpu.memory_space<hbm>>)
        %scan3A_316 = arith.constant 0 : i32
        %scan3A_317 = arith.constant 0 : i32
        %scan3A_318 = arith.constant 8 : i32
        %scan3A_319 = arith.addi %scan3A_317, %scan3A_318 : i32
        %scan3A_320 = arith.constant 1 : i32
        %scan3A_321 = scf.for %scan3A_323 = %scan3A_317 to %scan3A_319 step %scan3A_320 iter_args(%scan3A_324 = %scan3A_316) -> (i32)  : i32 {
          %mul3A_325 = arith.constant 8 : i32
          %mul3A_326 = arith.muli %scan3A_323, %mul3A_325 : i32
          %add3A_327 = arith.constant 0 : i32
          %add3A_328 = arith.addi %mul3A_326, %add3A_327 : i32
          %mul3A_329 = arith.constant 16 : i32
          %mul3A_330 = arith.muli %add3A_328, %mul3A_329 : i32
          %get3A = arith.index_cast %mul3A_330 : i32 to index
          %get3A_331 = tpu.vector_load %arg6[%get3A] {strides = array<i32>} : memref<1024xi32, #tpu.memory_space<vmem>>, vector<16xi32>,
          %sub3A_332 = vector.broadcast %mul3A_197 : i32 to vector<16xi32>
          %sub3A_333 = arith.subi %get3A_331, %sub3A_332 : vector<16xi32>
          %ge3A = arith.constant 0 : i32
          %ge3A_334 = vector.broadcast %ge3A : i32 to vector<16xi32>
          %ge3A_335 = arith.cmpi sge, %sub3A_333, %ge3A_334 : vector<16xi32>
          %lt3A_336 = arith.constant 40 : i32
          %lt3A_337 = vector.broadcast %lt3A_336 : i32 to vector<16xi32>
          %lt3A_338 = arith.cmpi slt, %sub3A_333, %lt3A_337 : vector<16xi32>
          %and3A_339 = arith.andi %ge3A_335, %lt3A_338 : vector<16xi1>
          %mul3A_340 = arith.constant 16 : i32
          %mul3A_341 = arith.muli %add3A_328, %mul3A_340 : i32
          %add3A_342 = vector.broadcast %mul3A_341 : i32 to vector<16xi32>
          %add3A_343 = arith.addi %add3A_342, %iota3A : vector<16xi32>
          tpu.vector_store_idx %arg4[%sub3A_333, %add3A_343], %broadcast_in_dim3A_1 masked %and3A_339 : memref<40x1024xf32, #tpu.memory_space<vmem>>[vector<16xi32>, vector<16xi32>], vector<16xf32>, vector<16xi1>
          %mul3A_344 = arith.constant 8 : i32
          %mul3A_345 = arith.muli %scan3A_323, %mul3A_344 : i32
          %add3A_346 = arith.constant 1 : i32
          %add3A_347 = arith.addi %mul3A_345, %add3A_346 : i32
          %mul3A_348 = arith.constant 16 : i32
          %mul3A_349 = arith.muli %add3A_347, %mul3A_348 : i32
          %get3A_350 = arith.index_cast %mul3A_349 : i32 to index
          %get3A_351 = tpu.vector_load %arg6[%get3A_350] {strides = array<i32>} : memref<1024xi32, #tpu.memory_space<vmem>>, vector<16xi32>,
          %sub3A_352 = vector.broadcast %mul3A_197 : i32 to vector<16xi32>
          %sub3A_353 = arith.subi %get3A_351, %sub3A_352 : vector<16xi32>
          %ge3A_354 = arith.constant 0 : i32
          %ge3A_355 = vector.broadcast %ge3A_354 : i32 to vector<16xi32>
          %ge3A_356 = arith.cmpi sge, %sub3A_353, %ge3A_355 : vector<16xi32>
          %lt3A_357 = arith.constant 40 : i32
          %lt3A_358 = vector.broadcast %lt3A_357 : i32 to vector<16xi32>
          %lt3A_359 = arith.cmpi slt, %sub3A_353, %lt3A_358 : vector<16xi32>
          %and3A_360 = arith.andi %ge3A_356, %lt3A_359 : vector<16xi1>
          %mul3A_361 = arith.constant 16 : i32
          %mul3A_362 = arith.muli %add3A_347, %mul3A_361 : i32
          %add3A_363 = vector.broadcast %mul3A_362 : i32 to vector<16xi32>
          %add3A_364 = arith.addi %add3A_363, %iota3A : vector<16xi32>
          tpu.vector_store_idx %arg4[%sub3A_353, %add3A_364], %broadcast_in_dim3A_1 masked %and3A_360 : memref<40x1024xf32, #tpu.memory_space<vmem>>[vector<16xi32>, vector<16xi32>], vector<16xf32>, vector<16xi1>
          %mul3A_365 = arith.constant 8 : i32
          %mul3A_366 = arith.muli %scan3A_323, %mul3A_365 : i32
          %add3A_367 = arith.constant 2 : i32
          %add3A_368 = arith.addi %mul3A_366, %add3A_367 : i32
          %mul3A_369 = arith.constant 16 : i32
          %mul3A_370 = arith.muli %add3A_368, %mul3A_369 : i32
          %get3A_371 = arith.index_cast %mul3A_370 : i32 to index
          %get3A_372 = tpu.vector_load %arg6[%get3A_371] {strides = array<i32>} : memref<1024xi32, #tpu.memory_space<vmem>>, vector<16xi32>,
          %sub3A_373 = vector.broadcast %mul3A_197 : i32 to vector<16xi32>
          %sub3A_374 = arith.subi %get3A_372, %sub3A_373 : vector<16xi32>
          %ge3A_375 = arith.constant 0 : i32
          %ge3A_376 = vector.broadcast %ge3A_375 : i32 to vector<16xi32>
          %ge3A_377 = arith.cmpi sge, %sub3A_374, %ge3A_376 : vector<16xi32>
          %lt3A_378 = arith.constant 40 : i32
          %lt3A_379 = vector.broadcast %lt3A_378 : i32 to vector<16xi32>
          %lt3A_380 = arith.cmpi slt, %sub3A_374, %lt3A_379 : vector<16xi32>
          %and3A_381 = arith.andi %ge3A_377, %lt3A_380 : vector<16xi1>
          %mul3A_382 = arith.constant 16 : i32
          %mul3A_383 = arith.muli %add3A_368, %mul3A_382 : i32
          %add3A_384 = vector.broadcast %mul3A_383 : i32 to vector<16xi32>
          %add3A_385 = arith.addi %add3A_384, %iota3A : vector<16xi32>
          tpu.vector_store_idx %arg4[%sub3A_374, %add3A_385], %broadcast_in_dim3A_1 masked %and3A_381 : memref<40x1024xf32, #tpu.memory_space<vmem>>[vector<16xi32>, vector<16xi32>], vector<16xf32>, vector<16xi1>
          %mul3A_386 = arith.constant 8 : i32
          %mul3A_387 = arith.muli %scan3A_323, %mul3A_386 : i32
          %add3A_388 = arith.constant 3 : i32
          %add3A_389 = arith.addi %mul3A_387, %add3A_388 : i32
          %mul3A_390 = arith.constant 16 : i32
          %mul3A_391 = arith.muli %add3A_389, %mul3A_390 : i32
          %get3A_392 = arith.index_cast %mul3A_391 : i32 to index
          %get3A_393 = tpu.vector_load %arg6[%get3A_392] {strides = array<i32>} : memref<1024xi32, #tpu.memory_space<vmem>>, vector<16xi32>,
          %sub3A_394 = vector.broadcast %mul3A_197 : i32 to vector<16xi32>
          %sub3A_395 = arith.subi %get3A_393, %sub3A_394 : vector<16xi32>
          %ge3A_396 = arith.constant 0 : i32
          %ge3A_397 = vector.broadcast %ge3A_396 : i32 to vector<16xi32>
          %ge3A_398 = arith.cmpi sge, %sub3A_395, %ge3A_397 : vector<16xi32>
          %lt3A_399 = arith.constant 40 : i32
          %lt3A_400 = vector.broadcast %lt3A_399 : i32 to vector<16xi32>
          %lt3A_401 = arith.cmpi slt, %sub3A_395, %lt3A_400 : vector<16xi32>
          %and3A_402 = arith.andi %ge3A_398, %lt3A_401 : vector<16xi1>
          %mul3A_403 = arith.constant 16 : i32
          %mul3A_404 = arith.muli %add3A_389, %mul3A_403 : i32
          %add3A_405 = vector.broadcast %mul3A_404 : i32 to vector<16xi32>
          %add3A_406 = arith.addi %add3A_405, %iota3A : vector<16xi32>
          tpu.vector_store_idx %arg4[%sub3A_395, %add3A_406], %broadcast_in_dim3A_1 masked %and3A_402 : memref<40x1024xf32, #tpu.memory_space<vmem>>[vector<16xi32>, vector<16xi32>], vector<16xf32>, vector<16xi1>
          %mul3A_407 = arith.constant 8 : i32
          %mul3A_408 = arith.muli %scan3A_323, %mul3A_407 : i32
          %add3A_409 = arith.constant 4 : i32
          %add3A_410 = arith.addi %mul3A_408, %add3A_409 : i32
          %mul3A_411 = arith.constant 16 : i32
          %mul3A_412 = arith.muli %add3A_410, %mul3A_411 : i32
          %get3A_413 = arith.index_cast %mul3A_412 : i32 to index
          %get3A_414 = tpu.vector_load %arg6[%get3A_413] {strides = array<i32>} : memref<1024xi32, #tpu.memory_space<vmem>>, vector<16xi32>,
          %sub3A_415 = vector.broadcast %mul3A_197 : i32 to vector<16xi32>
          %sub3A_416 = arith.subi %get3A_414, %sub3A_415 : vector<16xi32>
          %ge3A_417 = arith.constant 0 : i32
          %ge3A_418 = vector.broadcast %ge3A_417 : i32 to vector<16xi32>
          %ge3A_419 = arith.cmpi sge, %sub3A_416, %ge3A_418 : vector<16xi32>
          %lt3A_420 = arith.constant 40 : i32
          %lt3A_421 = vector.broadcast %lt3A_420 : i32 to vector<16xi32>
          %lt3A_422 = arith.cmpi slt, %sub3A_416, %lt3A_421 : vector<16xi32>
          %and3A_423 = arith.andi %ge3A_419, %lt3A_422 : vector<16xi1>
          %mul3A_424 = arith.constant 16 : i32
          %mul3A_425 = arith.muli %add3A_410, %mul3A_424 : i32
          %add3A_426 = vector.broadcast %mul3A_425 : i32 to vector<16xi32>
          %add3A_427 = arith.addi %add3A_426, %iota3A : vector<16xi32>
          tpu.vector_store_idx %arg4[%sub3A_416, %add3A_427], %broadcast_in_dim3A_1 masked %and3A_423 : memref<40x1024xf32, #tpu.memory_space<vmem>>[vector<16xi32>, vector<16xi32>], vector<16xf32>, vector<16xi1>
          %mul3A_428 = arith.constant 8 : i32
          %mul3A_429 = arith.muli %scan3A_323, %mul3A_428 : i32
          %add3A_430 = arith.constant 5 : i32
          %add3A_431 = arith.addi %mul3A_429, %add3A_430 : i32
          %mul3A_432 = arith.constant 16 : i32
          %mul3A_433 = arith.muli %add3A_431, %mul3A_432 : i32
          %get3A_434 = arith.index_cast %mul3A_433 : i32 to index
          %get3A_435 = tpu.vector_load %arg6[%get3A_434] {strides = array<i32>} : memref<1024xi32, #tpu.memory_space<vmem>>, vector<16xi32>,
          %sub3A_436 = vector.broadcast %mul3A_197 : i32 to vector<16xi32>
          %sub3A_437 = arith.subi %get3A_435, %sub3A_436 : vector<16xi32>
          %ge3A_438 = arith.constant 0 : i32
          %ge3A_439 = vector.broadcast %ge3A_438 : i32 to vector<16xi32>
          %ge3A_440 = arith.cmpi sge, %sub3A_437, %ge3A_439 : vector<16xi32>
          %lt3A_441 = arith.constant 40 : i32
          %lt3A_442 = vector.broadcast %lt3A_441 : i32 to vector<16xi32>
          %lt3A_443 = arith.cmpi slt, %sub3A_437, %lt3A_442 : vector<16xi32>
          %and3A_444 = arith.andi %ge3A_440, %lt3A_443 : vector<16xi1>
          %mul3A_445 = arith.constant 16 : i32
          %mul3A_446 = arith.muli %add3A_431, %mul3A_445 : i32
          %add3A_447 = vector.broadcast %mul3A_446 : i32 to vector<16xi32>
          %add3A_448 = arith.addi %add3A_447, %iota3A : vector<16xi32>
          tpu.vector_store_idx %arg4[%sub3A_437, %add3A_448], %broadcast_in_dim3A_1 masked %and3A_444 : memref<40x1024xf32, #tpu.memory_space<vmem>>[vector<16xi32>, vector<16xi32>], vector<16xf32>, vector<16xi1>
          %mul3A_449 = arith.constant 8 : i32
          %mul3A_450 = arith.muli %scan3A_323, %mul3A_449 : i32
          %add3A_451 = arith.constant 6 : i32
          %add3A_452 = arith.addi %mul3A_450, %add3A_451 : i32
          %mul3A_453 = arith.constant 16 : i32
          %mul3A_454 = arith.muli %add3A_452, %mul3A_453 : i32
          %get3A_455 = arith.index_cast %mul3A_454 : i32 to index
          %get3A_456 = tpu.vector_load %arg6[%get3A_455] {strides = array<i32>} : memref<1024xi32, #tpu.memory_space<vmem>>, vector<16xi32>,
          %sub3A_457 = vector.broadcast %mul3A_197 : i32 to vector<16xi32>
          %sub3A_458 = arith.subi %get3A_456, %sub3A_457 : vector<16xi32>
          %ge3A_459 = arith.constant 0 : i32
          %ge3A_460 = vector.broadcast %ge3A_459 : i32 to vector<16xi32>
          %ge3A_461 = arith.cmpi sge, %sub3A_458, %ge3A_460 : vector<16xi32>
          %lt3A_462 = arith.constant 40 : i32
          %lt3A_463 = vector.broadcast %lt3A_462 : i32 to vector<16xi32>
          %lt3A_464 = arith.cmpi slt, %sub3A_458, %lt3A_463 : vector<16xi32>
          %and3A_465 = arith.andi %ge3A_461, %lt3A_464 : vector<16xi1>
          %mul3A_466 = arith.constant 16 : i32
          %mul3A_467 = arith.muli %add3A_452, %mul3A_466 : i32
          %add3A_468 = vector.broadcast %mul3A_467 : i32 to vector<16xi32>
          %add3A_469 = arith.addi %add3A_468, %iota3A : vector<16xi32>
          tpu.vector_store_idx %arg4[%sub3A_458, %add3A_469], %broadcast_in_dim3A_1 masked %and3A_465 : memref<40x1024xf32, #tpu.memory_space<vmem>>[vector<16xi32>, vector<16xi32>], vector<16xf32>, vector<16xi1>
          %mul3A_470 = arith.constant 8 : i32
          %mul3A_471 = arith.muli %scan3A_323, %mul3A_470 : i32
          %add3A_472 = arith.constant 7 : i32
          %add3A_473 = arith.addi %mul3A_471, %add3A_472 : i32
          %mul3A_474 = arith.constant 16 : i32
          %mul3A_475 = arith.muli %add3A_473, %mul3A_474 : i32
          %get3A_476 = arith.index_cast %mul3A_475 : i32 to index
          %get3A_477 = tpu.vector_load %arg6[%get3A_476] {strides = array<i32>} : memref<1024xi32, #tpu.memory_space<vmem>>, vector<16xi32>,
          %sub3A_478 = vector.broadcast %mul3A_197 : i32 to vector<16xi32>
          %sub3A_479 = arith.subi %get3A_477, %sub3A_478 : vector<16xi32>
          %ge3A_480 = arith.constant 0 : i32
          %ge3A_481 = vector.broadcast %ge3A_480 : i32 to vector<16xi32>
          %ge3A_482 = arith.cmpi sge, %sub3A_479, %ge3A_481 : vector<16xi32>
          %lt3A_483 = arith.constant 40 : i32
          %lt3A_484 = vector.broadcast %lt3A_483 : i32 to vector<16xi32>
          %lt3A_485 = arith.cmpi slt, %sub3A_479, %lt3A_484 : vector<16xi32>
          %and3A_486 = arith.andi %ge3A_482, %lt3A_485 : vector<16xi1>
          %mul3A_487 = arith.constant 16 : i32
          %mul3A_488 = arith.muli %add3A_473, %mul3A_487 : i32
          %add3A_489 = vector.broadcast %mul3A_488 : i32 to vector<16xi32>
          %add3A_490 = arith.addi %add3A_489, %iota3A : vector<16xi32>
          tpu.vector_store_idx %arg4[%sub3A_479, %add3A_490], %broadcast_in_dim3A_1 masked %and3A_486 : memref<40x1024xf32, #tpu.memory_space<vmem>>[vector<16xi32>, vector<16xi32>], vector<16xf32>, vector<16xi1>
          %scan3A_491 = arith.constant 0 : i32
          scf.yield %scan3A_491 : i32
        }
        %scan3A_322 = arith.constant 8 : i32
      } else {
      }
      %lt3A_202 = arith.constant 1250 : i32
      %lt3A_203 = arith.cmpi slt, %add3A_111, %lt3A_202 : i32
      %convert_element_type3A_204 = arith.extui %lt3A_203 : i1 to i32
      %cond3A_205 = arith.constant 0 : i32
      %cond3A_206 = arith.cmpi ne, %convert_element_type3A_204, %cond3A_205 : i32
      scf.if %cond3A_206 {
        "tpu.region"() ({
          %run_scoped3A = tpu.sem_alloc : memref<!tpu.dma_semaphore, #tpu.memory_space<semaphore_mem>>
          %dma_start3A_323 = arith.constant 0 : i32
          %dma_start3A_324 = tpu.memref_slice %arg2[%select_n3A_137, %dma_start3A_323] : memref<50x1024xi32, #tpu.memory_space<hbm>> -> memref<1x1024xi32, #tpu.memory_space<hbm>>
          %dma_start3A_325 = tpu.memref_squeeze %dma_start3A_324 : memref<1x1024xi32, #tpu.memory_space<hbm>> -> memref<1024xi32, #tpu.memory_space<hbm>>
          %dma_start3A_326 = arith.constant 0 : i32
          %dma_start3A_327 = tpu.memref_slice %arg2[%select_n3A_137, %dma_start3A_326] : memref<50x1024xi32, #tpu.memory_space<hbm>> -> memref<1x1024xi32, #tpu.memory_space<hbm>>
          %dma_start3A_328 = tpu.memref_squeeze %dma_start3A_327 : memref<1x1024xi32, #tpu.memory_space<hbm>> -> memref<1024xi32, #tpu.memory_space<hbm>>
          tpu.enqueue_dma source(%dma_start3A_328 : memref<1024xi32, #tpu.memory_space<hbm>>) target(%arg6 : memref<1024xi32, #tpu.memory_space<vmem>>) target_semaphore(%run_scoped3A : memref<!tpu.dma_semaphore, #tpu.memory_space<semaphore_mem>>)
          %dma_wait3A = arith.constant 0 : i32
          %dma_wait3A_329 = tpu.memref_slice %arg2[%select_n3A_137, %dma_wait3A] : memref<50x1024xi32, #tpu.memory_space<hbm>> -> memref<1x1024xi32, #tpu.memory_space<hbm>>
          %dma_wait3A_330 = tpu.memref_squeeze %dma_wait3A_329 : memref<1x1024xi32, #tpu.memory_space<hbm>> -> memref<1024xi32, #tpu.memory_space<hbm>>
          %dma_wait3A_331 = arith.constant 0 : i32
          %dma_wait3A_332 = tpu.memref_slice %arg2[%select_n3A_137, %dma_wait3A_331] : memref<50x1024xi32, #tpu.memory_space<hbm>> -> memref<1x1024xi32, #tpu.memory_space<hbm>>
          %dma_wait3A_333 = tpu.memref_squeeze %dma_wait3A_332 : memref<1x1024xi32, #tpu.memory_space<hbm>> -> memref<1024xi32, #tpu.memory_space<hbm>>
          tpu.wait_dma2 semaphore(%run_scoped3A : memref<!tpu.dma_semaphore, #tpu.memory_space<semaphore_mem>>) src(%dma_wait3A_333 : memref<1024xi32, #tpu.memory_space<hbm>>) dst(%arg6 : memref<1024xi32, #tpu.memory_space<vmem>>)
          tpu.yield
        }) : () -> ()
        %scan3A_311 = arith.constant 0 : i32
        %scan3A_312 = arith.constant 0 : i32
        %scan3A_313 = arith.constant 8 : i32
        %scan3A_314 = arith.addi %scan3A_312, %scan3A_313 : i32
        %scan3A_315 = arith.constant 1 : i32
        %scan3A_316 = scf.for %scan3A_323 = %scan3A_312 to %scan3A_314 step %scan3A_315 iter_args(%scan3A_324 = %scan3A_311) -> (i32)  : i32 {
          %mul3A_325 = arith.constant 8 : i32
          %mul3A_326 = arith.muli %scan3A_323, %mul3A_325 : i32
          %add3A_327 = arith.constant 0 : i32
          %add3A_328 = arith.addi %mul3A_326, %add3A_327 : i32
          %mul3A_329 = arith.constant 16 : i32
          %mul3A_330 = arith.muli %add3A_328, %mul3A_329 : i32
          %get3A = arith.index_cast %mul3A_330 : i32 to index
          %get3A_331 = tpu.vector_load %arg6[%get3A] {strides = array<i32>} : memref<1024xi32, #tpu.memory_space<vmem>>, vector<16xi32>,
          %sub3A_332 = vector.broadcast %mul3A_155 : i32 to vector<16xi32>
          %sub3A_333 = arith.subi %get3A_331, %sub3A_332 : vector<16xi32>
          %ge3A = arith.constant 0 : i32
          %ge3A_334 = vector.broadcast %ge3A : i32 to vector<16xi32>
          %ge3A_335 = arith.cmpi sge, %sub3A_333, %ge3A_334 : vector<16xi32>
          %lt3A_336 = arith.constant 40 : i32
          %lt3A_337 = vector.broadcast %lt3A_336 : i32 to vector<16xi32>
          %lt3A_338 = arith.cmpi slt, %sub3A_333, %lt3A_337 : vector<16xi32>
          %and3A_339 = arith.andi %ge3A_335, %lt3A_338 : vector<16xi1>
          %mul3A_340 = arith.constant 16 : i32
          %mul3A_341 = arith.muli %add3A_328, %mul3A_340 : i32
          %add3A_342 = vector.broadcast %mul3A_341 : i32 to vector<16xi32>
          %add3A_343 = arith.addi %add3A_342, %iota3A : vector<16xi32>
          tpu.vector_store_idx %arg4[%sub3A_333, %add3A_343], %broadcast_in_dim3A_3 masked %and3A_339 : memref<40x1024xf32, #tpu.memory_space<vmem>>[vector<16xi32>, vector<16xi32>], vector<16xf32>, vector<16xi1>
          %mul3A_344 = arith.constant 8 : i32
          %mul3A_345 = arith.muli %scan3A_323, %mul3A_344 : i32
          %add3A_346 = arith.constant 1 : i32
          %add3A_347 = arith.addi %mul3A_345, %add3A_346 : i32
          %mul3A_348 = arith.constant 16 : i32
          %mul3A_349 = arith.muli %add3A_347, %mul3A_348 : i32
          %get3A_350 = arith.index_cast %mul3A_349 : i32 to index
          %get3A_351 = tpu.vector_load %arg6[%get3A_350] {strides = array<i32>} : memref<1024xi32, #tpu.memory_space<vmem>>, vector<16xi32>,
          %sub3A_352 = vector.broadcast %mul3A_155 : i32 to vector<16xi32>
          %sub3A_353 = arith.subi %get3A_351, %sub3A_352 : vector<16xi32>
          %ge3A_354 = arith.constant 0 : i32
          %ge3A_355 = vector.broadcast %ge3A_354 : i32 to vector<16xi32>
          %ge3A_356 = arith.cmpi sge, %sub3A_353, %ge3A_355 : vector<16xi32>
          %lt3A_357 = arith.constant 40 : i32
          %lt3A_358 = vector.broadcast %lt3A_357 : i32 to vector<16xi32>
          %lt3A_359 = arith.cmpi slt, %sub3A_353, %lt3A_358 : vector<16xi32>
          %and3A_360 = arith.andi %ge3A_356, %lt3A_359 : vector<16xi1>
          %mul3A_361 = arith.constant 16 : i32
          %mul3A_362 = arith.muli %add3A_347, %mul3A_361 : i32
          %add3A_363 = vector.broadcast %mul3A_362 : i32 to vector<16xi32>
          %add3A_364 = arith.addi %add3A_363, %iota3A : vector<16xi32>
          tpu.vector_store_idx %arg4[%sub3A_353, %add3A_364], %broadcast_in_dim3A_3 masked %and3A_360 : memref<40x1024xf32, #tpu.memory_space<vmem>>[vector<16xi32>, vector<16xi32>], vector<16xf32>, vector<16xi1>
          %mul3A_365 = arith.constant 8 : i32
          %mul3A_366 = arith.muli %scan3A_323, %mul3A_365 : i32
          %add3A_367 = arith.constant 2 : i32
          %add3A_368 = arith.addi %mul3A_366, %add3A_367 : i32
          %mul3A_369 = arith.constant 16 : i32
          %mul3A_370 = arith.muli %add3A_368, %mul3A_369 : i32
          %get3A_371 = arith.index_cast %mul3A_370 : i32 to index
          %get3A_372 = tpu.vector_load %arg6[%get3A_371] {strides = array<i32>} : memref<1024xi32, #tpu.memory_space<vmem>>, vector<16xi32>,
          %sub3A_373 = vector.broadcast %mul3A_155 : i32 to vector<16xi32>
          %sub3A_374 = arith.subi %get3A_372, %sub3A_373 : vector<16xi32>
          %ge3A_375 = arith.constant 0 : i32
          %ge3A_376 = vector.broadcast %ge3A_375 : i32 to vector<16xi32>
          %ge3A_377 = arith.cmpi sge, %sub3A_374, %ge3A_376 : vector<16xi32>
          %lt3A_378 = arith.constant 40 : i32
          %lt3A_379 = vector.broadcast %lt3A_378 : i32 to vector<16xi32>
          %lt3A_380 = arith.cmpi slt, %sub3A_374, %lt3A_379 : vector<16xi32>
          %and3A_381 = arith.andi %ge3A_377, %lt3A_380 : vector<16xi1>
          %mul3A_382 = arith.constant 16 : i32
          %mul3A_383 = arith.muli %add3A_368, %mul3A_382 : i32
          %add3A_384 = vector.broadcast %mul3A_383 : i32 to vector<16xi32>
          %add3A_385 = arith.addi %add3A_384, %iota3A : vector<16xi32>
          tpu.vector_store_idx %arg4[%sub3A_374, %add3A_385], %broadcast_in_dim3A_3 masked %and3A_381 : memref<40x1024xf32, #tpu.memory_space<vmem>>[vector<16xi32>, vector<16xi32>], vector<16xf32>, vector<16xi1>
          %mul3A_386 = arith.constant 8 : i32
          %mul3A_387 = arith.muli %scan3A_323, %mul3A_386 : i32
          %add3A_388 = arith.constant 3 : i32
          %add3A_389 = arith.addi %mul3A_387, %add3A_388 : i32
          %mul3A_390 = arith.constant 16 : i32
          %mul3A_391 = arith.muli %add3A_389, %mul3A_390 : i32
          %get3A_392 = arith.index_cast %mul3A_391 : i32 to index
          %get3A_393 = tpu.vector_load %arg6[%get3A_392] {strides = array<i32>} : memref<1024xi32, #tpu.memory_space<vmem>>, vector<16xi32>,
          %sub3A_394 = vector.broadcast %mul3A_155 : i32 to vector<16xi32>
          %sub3A_395 = arith.subi %get3A_393, %sub3A_394 : vector<16xi32>
          %ge3A_396 = arith.constant 0 : i32
          %ge3A_397 = vector.broadcast %ge3A_396 : i32 to vector<16xi32>
          %ge3A_398 = arith.cmpi sge, %sub3A_395, %ge3A_397 : vector<16xi32>
          %lt3A_399 = arith.constant 40 : i32
          %lt3A_400 = vector.broadcast %lt3A_399 : i32 to vector<16xi32>
          %lt3A_401 = arith.cmpi slt, %sub3A_395, %lt3A_400 : vector<16xi32>
          %and3A_402 = arith.andi %ge3A_398, %lt3A_401 : vector<16xi1>
          %mul3A_403 = arith.constant 16 : i32
          %mul3A_404 = arith.muli %add3A_389, %mul3A_403 : i32
          %add3A_405 = vector.broadcast %mul3A_404 : i32 to vector<16xi32>
          %add3A_406 = arith.addi %add3A_405, %iota3A : vector<16xi32>
          tpu.vector_store_idx %arg4[%sub3A_395, %add3A_406], %broadcast_in_dim3A_3 masked %and3A_402 : memref<40x1024xf32, #tpu.memory_space<vmem>>[vector<16xi32>, vector<16xi32>], vector<16xf32>, vector<16xi1>
          %mul3A_407 = arith.constant 8 : i32
          %mul3A_408 = arith.muli %scan3A_323, %mul3A_407 : i32
          %add3A_409 = arith.constant 4 : i32
          %add3A_410 = arith.addi %mul3A_408, %add3A_409 : i32
          %mul3A_411 = arith.constant 16 : i32
          %mul3A_412 = arith.muli %add3A_410, %mul3A_411 : i32
          %get3A_413 = arith.index_cast %mul3A_412 : i32 to index
          %get3A_414 = tpu.vector_load %arg6[%get3A_413] {strides = array<i32>} : memref<1024xi32, #tpu.memory_space<vmem>>, vector<16xi32>,
          %sub3A_415 = vector.broadcast %mul3A_155 : i32 to vector<16xi32>
          %sub3A_416 = arith.subi %get3A_414, %sub3A_415 : vector<16xi32>
          %ge3A_417 = arith.constant 0 : i32
          %ge3A_418 = vector.broadcast %ge3A_417 : i32 to vector<16xi32>
          %ge3A_419 = arith.cmpi sge, %sub3A_416, %ge3A_418 : vector<16xi32>
          %lt3A_420 = arith.constant 40 : i32
          %lt3A_421 = vector.broadcast %lt3A_420 : i32 to vector<16xi32>
          %lt3A_422 = arith.cmpi slt, %sub3A_416, %lt3A_421 : vector<16xi32>
          %and3A_423 = arith.andi %ge3A_419, %lt3A_422 : vector<16xi1>
          %mul3A_424 = arith.constant 16 : i32
          %mul3A_425 = arith.muli %add3A_410, %mul3A_424 : i32
          %add3A_426 = vector.broadcast %mul3A_425 : i32 to vector<16xi32>
          %add3A_427 = arith.addi %add3A_426, %iota3A : vector<16xi32>
          tpu.vector_store_idx %arg4[%sub3A_416, %add3A_427], %broadcast_in_dim3A_3 masked %and3A_423 : memref<40x1024xf32, #tpu.memory_space<vmem>>[vector<16xi32>, vector<16xi32>], vector<16xf32>, vector<16xi1>
          %mul3A_428 = arith.constant 8 : i32
          %mul3A_429 = arith.muli %scan3A_323, %mul3A_428 : i32
          %add3A_430 = arith.constant 5 : i32
          %add3A_431 = arith.addi %mul3A_429, %add3A_430 : i32
          %mul3A_432 = arith.constant 16 : i32
          %mul3A_433 = arith.muli %add3A_431, %mul3A_432 : i32
          %get3A_434 = arith.index_cast %mul3A_433 : i32 to index
          %get3A_435 = tpu.vector_load %arg6[%get3A_434] {strides = array<i32>} : memref<1024xi32, #tpu.memory_space<vmem>>, vector<16xi32>,
          %sub3A_436 = vector.broadcast %mul3A_155 : i32 to vector<16xi32>
          %sub3A_437 = arith.subi %get3A_435, %sub3A_436 : vector<16xi32>
          %ge3A_438 = arith.constant 0 : i32
          %ge3A_439 = vector.broadcast %ge3A_438 : i32 to vector<16xi32>
          %ge3A_440 = arith.cmpi sge, %sub3A_437, %ge3A_439 : vector<16xi32>
          %lt3A_441 = arith.constant 40 : i32
          %lt3A_442 = vector.broadcast %lt3A_441 : i32 to vector<16xi32>
          %lt3A_443 = arith.cmpi slt, %sub3A_437, %lt3A_442 : vector<16xi32>
          %and3A_444 = arith.andi %ge3A_440, %lt3A_443 : vector<16xi1>
          %mul3A_445 = arith.constant 16 : i32
          %mul3A_446 = arith.muli %add3A_431, %mul3A_445 : i32
          %add3A_447 = vector.broadcast %mul3A_446 : i32 to vector<16xi32>
          %add3A_448 = arith.addi %add3A_447, %iota3A : vector<16xi32>
          tpu.vector_store_idx %arg4[%sub3A_437, %add3A_448], %broadcast_in_dim3A_3 masked %and3A_444 : memref<40x1024xf32, #tpu.memory_space<vmem>>[vector<16xi32>, vector<16xi32>], vector<16xf32>, vector<16xi1>
          %mul3A_449 = arith.constant 8 : i32
          %mul3A_450 = arith.muli %scan3A_323, %mul3A_449 : i32
          %add3A_451 = arith.constant 6 : i32
          %add3A_452 = arith.addi %mul3A_450, %add3A_451 : i32
          %mul3A_453 = arith.constant 16 : i32
          %mul3A_454 = arith.muli %add3A_452, %mul3A_453 : i32
          %get3A_455 = arith.index_cast %mul3A_454 : i32 to index
          %get3A_456 = tpu.vector_load %arg6[%get3A_455] {strides = array<i32>} : memref<1024xi32, #tpu.memory_space<vmem>>, vector<16xi32>,
          %sub3A_457 = vector.broadcast %mul3A_155 : i32 to vector<16xi32>
          %sub3A_458 = arith.subi %get3A_456, %sub3A_457 : vector<16xi32>
          %ge3A_459 = arith.constant 0 : i32
          %ge3A_460 = vector.broadcast %ge3A_459 : i32 to vector<16xi32>
          %ge3A_461 = arith.cmpi sge, %sub3A_458, %ge3A_460 : vector<16xi32>
          %lt3A_462 = arith.constant 40 : i32
          %lt3A_463 = vector.broadcast %lt3A_462 : i32 to vector<16xi32>
          %lt3A_464 = arith.cmpi slt, %sub3A_458, %lt3A_463 : vector<16xi32>
          %and3A_465 = arith.andi %ge3A_461, %lt3A_464 : vector<16xi1>
          %mul3A_466 = arith.constant 16 : i32
          %mul3A_467 = arith.muli %add3A_452, %mul3A_466 : i32
          %add3A_468 = vector.broadcast %mul3A_467 : i32 to vector<16xi32>
          %add3A_469 = arith.addi %add3A_468, %iota3A : vector<16xi32>
          tpu.vector_store_idx %arg4[%sub3A_458, %add3A_469], %broadcast_in_dim3A_3 masked %and3A_465 : memref<40x1024xf32, #tpu.memory_space<vmem>>[vector<16xi32>, vector<16xi32>], vector<16xf32>, vector<16xi1>
          %mul3A_470 = arith.constant 8 : i32
          %mul3A_471 = arith.muli %scan3A_323, %mul3A_470 : i32
          %add3A_472 = arith.constant 7 : i32
          %add3A_473 = arith.addi %mul3A_471, %add3A_472 : i32
          %mul3A_474 = arith.constant 16 : i32
          %mul3A_475 = arith.muli %add3A_473, %mul3A_474 : i32
          %get3A_476 = arith.index_cast %mul3A_475 : i32 to index
          %get3A_477 = tpu.vector_load %arg6[%get3A_476] {strides = array<i32>} : memref<1024xi32, #tpu.memory_space<vmem>>, vector<16xi32>,
          %sub3A_478 = vector.broadcast %mul3A_155 : i32 to vector<16xi32>
          %sub3A_479 = arith.subi %get3A_477, %sub3A_478 : vector<16xi32>
          %ge3A_480 = arith.constant 0 : i32
          %ge3A_481 = vector.broadcast %ge3A_480 : i32 to vector<16xi32>
          %ge3A_482 = arith.cmpi sge, %sub3A_479, %ge3A_481 : vector<16xi32>
          %lt3A_483 = arith.constant 40 : i32
          %lt3A_484 = vector.broadcast %lt3A_483 : i32 to vector<16xi32>
          %lt3A_485 = arith.cmpi slt, %sub3A_479, %lt3A_484 : vector<16xi32>
          %and3A_486 = arith.andi %ge3A_482, %lt3A_485 : vector<16xi1>
          %mul3A_487 = arith.constant 16 : i32
          %mul3A_488 = arith.muli %add3A_473, %mul3A_487 : i32
          %add3A_489 = vector.broadcast %mul3A_488 : i32 to vector<16xi32>
          %add3A_490 = arith.addi %add3A_489, %iota3A : vector<16xi32>
          tpu.vector_store_idx %arg4[%sub3A_479, %add3A_490], %broadcast_in_dim3A_3 masked %and3A_486 : memref<40x1024xf32, #tpu.memory_space<vmem>>[vector<16xi32>, vector<16xi32>], vector<16xf32>, vector<16xi1>
          %scan3A_491 = arith.constant 0 : i32
          scf.yield %scan3A_491 : i32
        }
        %scan3A_317 = arith.constant 8 : i32
        %dma_start3A = arith.constant 0 : i32
        %dma_start3A_318 = tpu.memref_slice %arg3[%select_n3A_137, %mul3A_155, %dma_start3A] : memref<50x1000x1024xf32, #tpu.memory_space<hbm>> -> memref<1x40x1024xf32, #tpu.memory_space<hbm>>
        %dma_start3A_319 = tpu.memref_squeeze %dma_start3A_318 : memref<1x40x1024xf32, #tpu.memory_space<hbm>> -> memref<40x1024xf32, #tpu.memory_space<hbm>>
        %dma_start3A_320 = arith.constant 0 : i32
        %dma_start3A_321 = tpu.memref_slice %arg3[%select_n3A_137, %mul3A_155, %dma_start3A_320] : memref<50x1000x1024xf32, #tpu.memory_space<hbm>> -> memref<1x40x1024xf32, #tpu.memory_space<hbm>>
        %dma_start3A_322 = tpu.memref_squeeze %dma_start3A_321 : memref<1x40x1024xf32, #tpu.memory_space<hbm>> -> memref<40x1024xf32, #tpu.memory_space<hbm>>
        tpu.enqueue_dma source(%arg4 : memref<40x1024xf32, #tpu.memory_space<vmem>>) target(%dma_start3A_322 : memref<40x1024xf32, #tpu.memory_space<hbm>>) target_semaphore(%arg8 : memref<!tpu.dma_semaphore, #tpu.memory_space<semaphore_mem>>)
      } else {
      }
      %mul3A_207 = arith.constant 2 : i32
      %mul3A_208 = arith.muli %mul3A_207, %scan3A_103 : i32
      %add3A_209 = arith.constant 1 : i32
      %add3A_210 = arith.addi %mul3A_208, %add3A_209 : i32
      %mul3A_211 = arith.constant 32 : i32
      %mul3A_212 = arith.muli %add3A_210, %mul3A_211 : i32
      %add3A_213 = arith.addi %mul3A_212, %add3A : i32
      %sub3A_214 = arith.constant 64 : i32
      %sub3A_215 = arith.subi %add3A_213, %sub3A_214 : i32
      %jit3A_216 = arith.constant 25 : i32
      %div3A_217 = arith.divsi %add3A_213, %jit3A_216 : i32
      %sign3A_218 = arith.constant 0 : i32
      %sign3A_219 = arith.cmpi sgt, %add3A_213, %sign3A_218 : i32
      %sign3A_220 = arith.extui %sign3A_219 : i1 to i32
      %sign3A_221 = arith.constant 0 : i32
      %sign3A_222 = arith.cmpi slt, %add3A_213, %sign3A_221 : i32
      %sign3A_223 = arith.extui %sign3A_222 : i1 to i32
      %sign3A_224 = arith.subi %sign3A_220, %sign3A_223 : i32
      %sign3A_225 = arith.constant 0 : i32
      %sign3A_226 = arith.cmpi sgt, %jit3A_216, %sign3A_225 : i32
      %sign3A_227 = arith.extui %sign3A_226 : i1 to i32
      %sign3A_228 = arith.constant 0 : i32
      %sign3A_229 = arith.cmpi slt, %jit3A_216, %sign3A_228 : i32
      %sign3A_230 = arith.extui %sign3A_229 : i1 to i32
      %sign3A_231 = arith.subi %sign3A_227, %sign3A_230 : i32
      %ne3A_232 = arith.cmpi ne, %sign3A_224, %sign3A_231 : i32
      %rem3A_233 = arith.remsi %add3A_213, %jit3A_216 : i32
      %ne3A_234 = arith.constant 0 : i32
      %ne3A_235 = arith.cmpi ne, %rem3A_233, %ne3A_234 : i32
      %and3A_236 = arith.andi %ne3A_232, %ne3A_235 : i1
      %sub3A_237 = arith.constant 1 : i32
      %sub3A_238 = arith.subi %div3A_217, %sub3A_237 : i32
      %select_n3A_239 = arith.select %and3A_236, %sub3A_238, %div3A_217 : i32
      %jit3A_240 = arith.constant 25 : i32
      %eq3A_241 = arith.constant 0 : i32
      %eq3A_242 = arith.cmpi eq, %jit3A_240, %eq3A_241 : i32
      %jit3A_243 = arith.constant 1 : i32
      %select_n3A_244 = arith.select %eq3A_242, %jit3A_243, %jit3A_240 : i32
      %rem3A_245 = arith.remsi %add3A_213, %select_n3A_244 : i32
      %ne3A_246 = arith.constant 0 : i32
      %ne3A_247 = arith.cmpi ne, %rem3A_245, %ne3A_246 : i32
      %lt3A_248 = arith.constant 0 : i32
      %lt3A_249 = arith.cmpi slt, %rem3A_245, %lt3A_248 : i32
      %lt3A_250 = arith.constant 0 : i32
      %lt3A_251 = arith.cmpi slt, %select_n3A_244, %lt3A_250 : i32
      %ne3A_252 = arith.xori %lt3A_249, %lt3A_251 : i1
      %and3A_253 = arith.andi %ne3A_252, %ne3A_247 : i1
      %add3A_254 = arith.addi %rem3A_245, %select_n3A_244 : i32
      %select_n3A_255 = arith.select %and3A_253, %add3A_254, %rem3A_245 : i32
      %mul3A_256 = arith.constant 40 : i32
      %mul3A_257 = arith.muli %select_n3A_255, %mul3A_256 : i32
      %jit3A_258 = arith.constant 25 : i32
      %div3A_259 = arith.divsi %sub3A_215, %jit3A_258 : i32
      %sign3A_260 = arith.constant 0 : i32
      %sign3A_261 = arith.cmpi sgt, %sub3A_215, %sign3A_260 : i32
      %sign3A_262 = arith.extui %sign3A_261 : i1 to i32
      %sign3A_263 = arith.constant 0 : i32
      %sign3A_264 = arith.cmpi slt, %sub3A_215, %sign3A_263 : i32
      %sign3A_265 = arith.extui %sign3A_264 : i1 to i32
      %sign3A_266 = arith.subi %sign3A_262, %sign3A_265 : i32
      %sign3A_267 = arith.constant 0 : i32
      %sign3A_268 = arith.cmpi sgt, %jit3A_258, %sign3A_267 : i32
      %sign3A_269 = arith.extui %sign3A_268 : i1 to i32
      %sign3A_270 = arith.constant 0 : i32
      %sign3A_271 = arith.cmpi slt, %jit3A_258, %sign3A_270 : i32
      %sign3A_272 = arith.extui %sign3A_271 : i1 to i32
      %sign3A_273 = arith.subi %sign3A_269, %sign3A_272 : i32
      %ne3A_274 = arith.cmpi ne, %sign3A_266, %sign3A_273 : i32
      %rem3A_275 = arith.remsi %sub3A_215, %jit3A_258 : i32
      %ne3A_276 = arith.constant 0 : i32
      %ne3A_277 = arith.cmpi ne, %rem3A_275, %ne3A_276 : i32
      %and3A_278 = arith.andi %ne3A_274, %ne3A_277 : i1
      %sub3A_279 = arith.constant 1 : i32
      %sub3A_280 = arith.subi %div3A_259, %sub3A_279 : i32
      %select_n3A_281 = arith.select %and3A_278, %sub3A_280, %div3A_259 : i32
      %jit3A_282 = arith.constant 25 : i32
      %eq3A_283 = arith.constant 0 : i32
      %eq3A_284 = arith.cmpi eq, %jit3A_282, %eq3A_283 : i32
      %jit3A_285 = arith.constant 1 : i32
      %select_n3A_286 = arith.select %eq3A_284, %jit3A_285, %jit3A_282 : i32
      %rem3A_287 = arith.remsi %sub3A_215, %select_n3A_286 : i32
      %ne3A_288 = arith.constant 0 : i32
      %ne3A_289 = arith.cmpi ne, %rem3A_287, %ne3A_288 : i32
      %lt3A_290 = arith.constant 0 : i32
      %lt3A_291 = arith.cmpi slt, %rem3A_287, %lt3A_290 : i32
      %lt3A_292 = arith.constant 0 : i32
      %lt3A_293 = arith.cmpi slt, %select_n3A_286, %lt3A_292 : i32
      %ne3A_294 = arith.xori %lt3A_291, %lt3A_293 : i1
      %and3A_295 = arith.andi %ne3A_294, %ne3A_289 : i1
      %add3A_296 = arith.addi %rem3A_287, %select_n3A_286 : i32
      %select_n3A_297 = arith.select %and3A_295, %add3A_296, %rem3A_287 : i32
      %mul3A_298 = arith.constant 40 : i32
      %mul3A_299 = arith.muli %select_n3A_297, %mul3A_298 : i32
      %gt3A_300 = arith.constant 0 : i32
      %gt3A_301 = arith.cmpi sgt, %scan3A_103, %gt3A_300 : i32
      %convert_element_type3A_302 = arith.extui %gt3A_301 : i1 to i32
      %cond3A_303 = arith.constant 0 : i32
      %cond3A_304 = arith.cmpi ne, %convert_element_type3A_302, %cond3A_303 : i32
      scf.if %cond3A_304 {
        %dma_wait3A = arith.constant 0 : i32
        %dma_wait3A_311 = tpu.memref_slice %arg3[%select_n3A_281, %mul3A_299, %dma_wait3A] : memref<50x1000x1024xf32, #tpu.memory_space<hbm>> -> memref<1x40x1024xf32, #tpu.memory_space<hbm>>
        %dma_wait3A_312 = tpu.memref_squeeze %dma_wait3A_311 : memref<1x40x1024xf32, #tpu.memory_space<hbm>> -> memref<40x1024xf32, #tpu.memory_space<hbm>>
        %dma_wait3A_313 = arith.constant 0 : i32
        %dma_wait3A_314 = tpu.memref_slice %arg3[%select_n3A_281, %mul3A_299, %dma_wait3A_313] : memref<50x1000x1024xf32, #tpu.memory_space<hbm>> -> memref<1x40x1024xf32, #tpu.memory_space<hbm>>
        %dma_wait3A_315 = tpu.memref_squeeze %dma_wait3A_314 : memref<1x40x1024xf32, #tpu.memory_space<hbm>> -> memref<40x1024xf32, #tpu.memory_space<hbm>>
        tpu.wait_dma2 semaphore(%arg9 : memref<!tpu.dma_semaphore, #tpu.memory_space<semaphore_mem>>) src(%arg5 : memref<40x1024xf32, #tpu.memory_space<vmem>>) dst(%dma_wait3A_315 : memref<40x1024xf32, #tpu.memory_space<hbm>>)
        %scan3A_316 = arith.constant 0 : i32
        %scan3A_317 = arith.constant 0 : i32
        %scan3A_318 = arith.constant 8 : i32
        %scan3A_319 = arith.addi %scan3A_317, %scan3A_318 : i32
        %scan3A_320 = arith.constant 1 : i32
        %scan3A_321 = scf.for %scan3A_323 = %scan3A_317 to %scan3A_319 step %scan3A_320 iter_args(%scan3A_324 = %scan3A_316) -> (i32)  : i32 {
          %mul3A_325 = arith.constant 8 : i32
          %mul3A_326 = arith.muli %scan3A_323, %mul3A_325 : i32
          %add3A_327 = arith.constant 0 : i32
          %add3A_328 = arith.addi %mul3A_326, %add3A_327 : i32
          %mul3A_329 = arith.constant 16 : i32
          %mul3A_330 = arith.muli %add3A_328, %mul3A_329 : i32
          %get3A = arith.index_cast %mul3A_330 : i32 to index
          %get3A_331 = tpu.vector_load %arg7[%get3A] {strides = array<i32>} : memref<1024xi32, #tpu.memory_space<vmem>>, vector<16xi32>,
          %sub3A_332 = vector.broadcast %mul3A_299 : i32 to vector<16xi32>
          %sub3A_333 = arith.subi %get3A_331, %sub3A_332 : vector<16xi32>
          %ge3A = arith.constant 0 : i32
          %ge3A_334 = vector.broadcast %ge3A : i32 to vector<16xi32>
          %ge3A_335 = arith.cmpi sge, %sub3A_333, %ge3A_334 : vector<16xi32>
          %lt3A_336 = arith.constant 40 : i32
          %lt3A_337 = vector.broadcast %lt3A_336 : i32 to vector<16xi32>
          %lt3A_338 = arith.cmpi slt, %sub3A_333, %lt3A_337 : vector<16xi32>
          %and3A_339 = arith.andi %ge3A_335, %lt3A_338 : vector<16xi1>
          %mul3A_340 = arith.constant 16 : i32
          %mul3A_341 = arith.muli %add3A_328, %mul3A_340 : i32
          %add3A_342 = vector.broadcast %mul3A_341 : i32 to vector<16xi32>
          %add3A_343 = arith.addi %add3A_342, %iota3A : vector<16xi32>
          tpu.vector_store_idx %arg5[%sub3A_333, %add3A_343], %broadcast_in_dim3A_1 masked %and3A_339 : memref<40x1024xf32, #tpu.memory_space<vmem>>[vector<16xi32>, vector<16xi32>], vector<16xf32>, vector<16xi1>
          %mul3A_344 = arith.constant 8 : i32
          %mul3A_345 = arith.muli %scan3A_323, %mul3A_344 : i32
          %add3A_346 = arith.constant 1 : i32
          %add3A_347 = arith.addi %mul3A_345, %add3A_346 : i32
          %mul3A_348 = arith.constant 16 : i32
          %mul3A_349 = arith.muli %add3A_347, %mul3A_348 : i32
          %get3A_350 = arith.index_cast %mul3A_349 : i32 to index
          %get3A_351 = tpu.vector_load %arg7[%get3A_350] {strides = array<i32>} : memref<1024xi32, #tpu.memory_space<vmem>>, vector<16xi32>,
          %sub3A_352 = vector.broadcast %mul3A_299 : i32 to vector<16xi32>
          %sub3A_353 = arith.subi %get3A_351, %sub3A_352 : vector<16xi32>
          %ge3A_354 = arith.constant 0 : i32
          %ge3A_355 = vector.broadcast %ge3A_354 : i32 to vector<16xi32>
          %ge3A_356 = arith.cmpi sge, %sub3A_353, %ge3A_355 : vector<16xi32>
          %lt3A_357 = arith.constant 40 : i32
          %lt3A_358 = vector.broadcast %lt3A_357 : i32 to vector<16xi32>
          %lt3A_359 = arith.cmpi slt, %sub3A_353, %lt3A_358 : vector<16xi32>
          %and3A_360 = arith.andi %ge3A_356, %lt3A_359 : vector<16xi1>
          %mul3A_361 = arith.constant 16 : i32
          %mul3A_362 = arith.muli %add3A_347, %mul3A_361 : i32
          %add3A_363 = vector.broadcast %mul3A_362 : i32 to vector<16xi32>
          %add3A_364 = arith.addi %add3A_363, %iota3A : vector<16xi32>
          tpu.vector_store_idx %arg5[%sub3A_353, %add3A_364], %broadcast_in_dim3A_1 masked %and3A_360 : memref<40x1024xf32, #tpu.memory_space<vmem>>[vector<16xi32>, vector<16xi32>], vector<16xf32>, vector<16xi1>
          %mul3A_365 = arith.constant 8 : i32
          %mul3A_366 = arith.muli %scan3A_323, %mul3A_365 : i32
          %add3A_367 = arith.constant 2 : i32
          %add3A_368 = arith.addi %mul3A_366, %add3A_367 : i32
          %mul3A_369 = arith.constant 16 : i32
          %mul3A_370 = arith.muli %add3A_368, %mul3A_369 : i32
          %get3A_371 = arith.index_cast %mul3A_370 : i32 to index
          %get3A_372 = tpu.vector_load %arg7[%get3A_371] {strides = array<i32>} : memref<1024xi32, #tpu.memory_space<vmem>>, vector<16xi32>,
          %sub3A_373 = vector.broadcast %mul3A_299 : i32 to vector<16xi32>
          %sub3A_374 = arith.subi %get3A_372, %sub3A_373 : vector<16xi32>
          %ge3A_375 = arith.constant 0 : i32
          %ge3A_376 = vector.broadcast %ge3A_375 : i32 to vector<16xi32>
          %ge3A_377 = arith.cmpi sge, %sub3A_374, %ge3A_376 : vector<16xi32>
          %lt3A_378 = arith.constant 40 : i32
          %lt3A_379 = vector.broadcast %lt3A_378 : i32 to vector<16xi32>
          %lt3A_380 = arith.cmpi slt, %sub3A_374, %lt3A_379 : vector<16xi32>
          %and3A_381 = arith.andi %ge3A_377, %lt3A_380 : vector<16xi1>
          %mul3A_382 = arith.constant 16 : i32
          %mul3A_383 = arith.muli %add3A_368, %mul3A_382 : i32
          %add3A_384 = vector.broadcast %mul3A_383 : i32 to vector<16xi32>
          %add3A_385 = arith.addi %add3A_384, %iota3A : vector<16xi32>
          tpu.vector_store_idx %arg5[%sub3A_374, %add3A_385], %broadcast_in_dim3A_1 masked %and3A_381 : memref<40x1024xf32, #tpu.memory_space<vmem>>[vector<16xi32>, vector<16xi32>], vector<16xf32>, vector<16xi1>
          %mul3A_386 = arith.constant 8 : i32
          %mul3A_387 = arith.muli %scan3A_323, %mul3A_386 : i32
          %add3A_388 = arith.constant 3 : i32
          %add3A_389 = arith.addi %mul3A_387, %add3A_388 : i32
          %mul3A_390 = arith.constant 16 : i32
          %mul3A_391 = arith.muli %add3A_389, %mul3A_390 : i32
          %get3A_392 = arith.index_cast %mul3A_391 : i32 to index
          %get3A_393 = tpu.vector_load %arg7[%get3A_392] {strides = array<i32>} : memref<1024xi32, #tpu.memory_space<vmem>>, vector<16xi32>,
          %sub3A_394 = vector.broadcast %mul3A_299 : i32 to vector<16xi32>
          %sub3A_395 = arith.subi %get3A_393, %sub3A_394 : vector<16xi32>
          %ge3A_396 = arith.constant 0 : i32
          %ge3A_397 = vector.broadcast %ge3A_396 : i32 to vector<16xi32>
          %ge3A_398 = arith.cmpi sge, %sub3A_395, %ge3A_397 : vector<16xi32>
          %lt3A_399 = arith.constant 40 : i32
          %lt3A_400 = vector.broadcast %lt3A_399 : i32 to vector<16xi32>
          %lt3A_401 = arith.cmpi slt, %sub3A_395, %lt3A_400 : vector<16xi32>
          %and3A_402 = arith.andi %ge3A_398, %lt3A_401 : vector<16xi1>
          %mul3A_403 = arith.constant 16 : i32
          %mul3A_404 = arith.muli %add3A_389, %mul3A_403 : i32
          %add3A_405 = vector.broadcast %mul3A_404 : i32 to vector<16xi32>
          %add3A_406 = arith.addi %add3A_405, %iota3A : vector<16xi32>
          tpu.vector_store_idx %arg5[%sub3A_395, %add3A_406], %broadcast_in_dim3A_1 masked %and3A_402 : memref<40x1024xf32, #tpu.memory_space<vmem>>[vector<16xi32>, vector<16xi32>], vector<16xf32>, vector<16xi1>
          %mul3A_407 = arith.constant 8 : i32
          %mul3A_408 = arith.muli %scan3A_323, %mul3A_407 : i32
          %add3A_409 = arith.constant 4 : i32
          %add3A_410 = arith.addi %mul3A_408, %add3A_409 : i32
          %mul3A_411 = arith.constant 16 : i32
          %mul3A_412 = arith.muli %add3A_410, %mul3A_411 : i32
          %get3A_413 = arith.index_cast %mul3A_412 : i32 to index
          %get3A_414 = tpu.vector_load %arg7[%get3A_413] {strides = array<i32>} : memref<1024xi32, #tpu.memory_space<vmem>>, vector<16xi32>,
          %sub3A_415 = vector.broadcast %mul3A_299 : i32 to vector<16xi32>
          %sub3A_416 = arith.subi %get3A_414, %sub3A_415 : vector<16xi32>
          %ge3A_417 = arith.constant 0 : i32
          %ge3A_418 = vector.broadcast %ge3A_417 : i32 to vector<16xi32>
          %ge3A_419 = arith.cmpi sge, %sub3A_416, %ge3A_418 : vector<16xi32>
          %lt3A_420 = arith.constant 40 : i32
          %lt3A_421 = vector.broadcast %lt3A_420 : i32 to vector<16xi32>
          %lt3A_422 = arith.cmpi slt, %sub3A_416, %lt3A_421 : vector<16xi32>
          %and3A_423 = arith.andi %ge3A_419, %lt3A_422 : vector<16xi1>
          %mul3A_424 = arith.constant 16 : i32
          %mul3A_425 = arith.muli %add3A_410, %mul3A_424 : i32
          %add3A_426 = vector.broadcast %mul3A_425 : i32 to vector<16xi32>
          %add3A_427 = arith.addi %add3A_426, %iota3A : vector<16xi32>
          tpu.vector_store_idx %arg5[%sub3A_416, %add3A_427], %broadcast_in_dim3A_1 masked %and3A_423 : memref<40x1024xf32, #tpu.memory_space<vmem>>[vector<16xi32>, vector<16xi32>], vector<16xf32>, vector<16xi1>
          %mul3A_428 = arith.constant 8 : i32
          %mul3A_429 = arith.muli %scan3A_323, %mul3A_428 : i32
          %add3A_430 = arith.constant 5 : i32
          %add3A_431 = arith.addi %mul3A_429, %add3A_430 : i32
          %mul3A_432 = arith.constant 16 : i32
          %mul3A_433 = arith.muli %add3A_431, %mul3A_432 : i32
          %get3A_434 = arith.index_cast %mul3A_433 : i32 to index
          %get3A_435 = tpu.vector_load %arg7[%get3A_434] {strides = array<i32>} : memref<1024xi32, #tpu.memory_space<vmem>>, vector<16xi32>,
          %sub3A_436 = vector.broadcast %mul3A_299 : i32 to vector<16xi32>
          %sub3A_437 = arith.subi %get3A_435, %sub3A_436 : vector<16xi32>
          %ge3A_438 = arith.constant 0 : i32
          %ge3A_439 = vector.broadcast %ge3A_438 : i32 to vector<16xi32>
          %ge3A_440 = arith.cmpi sge, %sub3A_437, %ge3A_439 : vector<16xi32>
          %lt3A_441 = arith.constant 40 : i32
          %lt3A_442 = vector.broadcast %lt3A_441 : i32 to vector<16xi32>
          %lt3A_443 = arith.cmpi slt, %sub3A_437, %lt3A_442 : vector<16xi32>
          %and3A_444 = arith.andi %ge3A_440, %lt3A_443 : vector<16xi1>
          %mul3A_445 = arith.constant 16 : i32
          %mul3A_446 = arith.muli %add3A_431, %mul3A_445 : i32
          %add3A_447 = vector.broadcast %mul3A_446 : i32 to vector<16xi32>
          %add3A_448 = arith.addi %add3A_447, %iota3A : vector<16xi32>
          tpu.vector_store_idx %arg5[%sub3A_437, %add3A_448], %broadcast_in_dim3A_1 masked %and3A_444 : memref<40x1024xf32, #tpu.memory_space<vmem>>[vector<16xi32>, vector<16xi32>], vector<16xf32>, vector<16xi1>
          %mul3A_449 = arith.constant 8 : i32
          %mul3A_450 = arith.muli %scan3A_323, %mul3A_449 : i32
          %add3A_451 = arith.constant 6 : i32
          %add3A_452 = arith.addi %mul3A_450, %add3A_451 : i32
          %mul3A_453 = arith.constant 16 : i32
          %mul3A_454 = arith.muli %add3A_452, %mul3A_453 : i32
          %get3A_455 = arith.index_cast %mul3A_454 : i32 to index
          %get3A_456 = tpu.vector_load %arg7[%get3A_455] {strides = array<i32>} : memref<1024xi32, #tpu.memory_space<vmem>>, vector<16xi32>,
          %sub3A_457 = vector.broadcast %mul3A_299 : i32 to vector<16xi32>
          %sub3A_458 = arith.subi %get3A_456, %sub3A_457 : vector<16xi32>
          %ge3A_459 = arith.constant 0 : i32
          %ge3A_460 = vector.broadcast %ge3A_459 : i32 to vector<16xi32>
          %ge3A_461 = arith.cmpi sge, %sub3A_458, %ge3A_460 : vector<16xi32>
          %lt3A_462 = arith.constant 40 : i32
          %lt3A_463 = vector.broadcast %lt3A_462 : i32 to vector<16xi32>
          %lt3A_464 = arith.cmpi slt, %sub3A_458, %lt3A_463 : vector<16xi32>
          %and3A_465 = arith.andi %ge3A_461, %lt3A_464 : vector<16xi1>
          %mul3A_466 = arith.constant 16 : i32
          %mul3A_467 = arith.muli %add3A_452, %mul3A_466 : i32
          %add3A_468 = vector.broadcast %mul3A_467 : i32 to vector<16xi32>
          %add3A_469 = arith.addi %add3A_468, %iota3A : vector<16xi32>
          tpu.vector_store_idx %arg5[%sub3A_458, %add3A_469], %broadcast_in_dim3A_1 masked %and3A_465 : memref<40x1024xf32, #tpu.memory_space<vmem>>[vector<16xi32>, vector<16xi32>], vector<16xf32>, vector<16xi1>
          %mul3A_470 = arith.constant 8 : i32
          %mul3A_471 = arith.muli %scan3A_323, %mul3A_470 : i32
          %add3A_472 = arith.constant 7 : i32
          %add3A_473 = arith.addi %mul3A_471, %add3A_472 : i32
          %mul3A_474 = arith.constant 16 : i32
          %mul3A_475 = arith.muli %add3A_473, %mul3A_474 : i32
          %get3A_476 = arith.index_cast %mul3A_475 : i32 to index
          %get3A_477 = tpu.vector_load %arg7[%get3A_476] {strides = array<i32>} : memref<1024xi32, #tpu.memory_space<vmem>>, vector<16xi32>,
          %sub3A_478 = vector.broadcast %mul3A_299 : i32 to vector<16xi32>
          %sub3A_479 = arith.subi %get3A_477, %sub3A_478 : vector<16xi32>
          %ge3A_480 = arith.constant 0 : i32
          %ge3A_481 = vector.broadcast %ge3A_480 : i32 to vector<16xi32>
          %ge3A_482 = arith.cmpi sge, %sub3A_479, %ge3A_481 : vector<16xi32>
          %lt3A_483 = arith.constant 40 : i32
          %lt3A_484 = vector.broadcast %lt3A_483 : i32 to vector<16xi32>
          %lt3A_485 = arith.cmpi slt, %sub3A_479, %lt3A_484 : vector<16xi32>
          %and3A_486 = arith.andi %ge3A_482, %lt3A_485 : vector<16xi1>
          %mul3A_487 = arith.constant 16 : i32
          %mul3A_488 = arith.muli %add3A_473, %mul3A_487 : i32
          %add3A_489 = vector.broadcast %mul3A_488 : i32 to vector<16xi32>
          %add3A_490 = arith.addi %add3A_489, %iota3A : vector<16xi32>
          tpu.vector_store_idx %arg5[%sub3A_479, %add3A_490], %broadcast_in_dim3A_1 masked %and3A_486 : memref<40x1024xf32, #tpu.memory_space<vmem>>[vector<16xi32>, vector<16xi32>], vector<16xf32>, vector<16xi1>
          %scan3A_491 = arith.constant 0 : i32
          scf.yield %scan3A_491 : i32
        }
        %scan3A_322 = arith.constant 8 : i32
      } else {
      }
      %lt3A_305 = arith.constant 1250 : i32
      %lt3A_306 = arith.cmpi slt, %add3A_213, %lt3A_305 : i32
      %convert_element_type3A_307 = arith.extui %lt3A_306 : i1 to i32
      %cond3A_308 = arith.constant 0 : i32
      %cond3A_309 = arith.cmpi ne, %convert_element_type3A_307, %cond3A_308 : i32
      scf.if %cond3A_309 {
        "tpu.region"() ({
          %run_scoped3A = tpu.sem_alloc : memref<!tpu.dma_semaphore, #tpu.memory_space<semaphore_mem>>
          %dma_start3A_323 = arith.constant 0 : i32
          %dma_start3A_324 = tpu.memref_slice %arg2[%select_n3A_239, %dma_start3A_323] : memref<50x1024xi32, #tpu.memory_space<hbm>> -> memref<1x1024xi32, #tpu.memory_space<hbm>>
          %dma_start3A_325 = tpu.memref_squeeze %dma_start3A_324 : memref<1x1024xi32, #tpu.memory_space<hbm>> -> memref<1024xi32, #tpu.memory_space<hbm>>
          %dma_start3A_326 = arith.constant 0 : i32
          %dma_start3A_327 = tpu.memref_slice %arg2[%select_n3A_239, %dma_start3A_326] : memref<50x1024xi32, #tpu.memory_space<hbm>> -> memref<1x1024xi32, #tpu.memory_space<hbm>>
          %dma_start3A_328 = tpu.memref_squeeze %dma_start3A_327 : memref<1x1024xi32, #tpu.memory_space<hbm>> -> memref<1024xi32, #tpu.memory_space<hbm>>
          tpu.enqueue_dma source(%dma_start3A_328 : memref<1024xi32, #tpu.memory_space<hbm>>) target(%arg7 : memref<1024xi32, #tpu.memory_space<vmem>>) target_semaphore(%run_scoped3A : memref<!tpu.dma_semaphore, #tpu.memory_space<semaphore_mem>>)
          %dma_wait3A = arith.constant 0 : i32
          %dma_wait3A_329 = tpu.memref_slice %arg2[%select_n3A_239, %dma_wait3A] : memref<50x1024xi32, #tpu.memory_space<hbm>> -> memref<1x1024xi32, #tpu.memory_space<hbm>>
          %dma_wait3A_330 = tpu.memref_squeeze %dma_wait3A_329 : memref<1x1024xi32, #tpu.memory_space<hbm>> -> memref<1024xi32, #tpu.memory_space<hbm>>
          %dma_wait3A_331 = arith.constant 0 : i32
          %dma_wait3A_332 = tpu.memref_slice %arg2[%select_n3A_239, %dma_wait3A_331] : memref<50x1024xi32, #tpu.memory_space<hbm>> -> memref<1x1024xi32, #tpu.memory_space<hbm>>
          %dma_wait3A_333 = tpu.memref_squeeze %dma_wait3A_332 : memref<1x1024xi32, #tpu.memory_space<hbm>> -> memref<1024xi32, #tpu.memory_space<hbm>>
          tpu.wait_dma2 semaphore(%run_scoped3A : memref<!tpu.dma_semaphore, #tpu.memory_space<semaphore_mem>>) src(%dma_wait3A_333 : memref<1024xi32, #tpu.memory_space<hbm>>) dst(%arg7 : memref<1024xi32, #tpu.memory_space<vmem>>)
          tpu.yield
        }) : () -> ()
        %scan3A_311 = arith.constant 0 : i32
        %scan3A_312 = arith.constant 0 : i32
        %scan3A_313 = arith.constant 8 : i32
        %scan3A_314 = arith.addi %scan3A_312, %scan3A_313 : i32
        %scan3A_315 = arith.constant 1 : i32
        %scan3A_316 = scf.for %scan3A_323 = %scan3A_312 to %scan3A_314 step %scan3A_315 iter_args(%scan3A_324 = %scan3A_311) -> (i32)  : i32 {
          %mul3A_325 = arith.constant 8 : i32
          %mul3A_326 = arith.muli %scan3A_323, %mul3A_325 : i32
          %add3A_327 = arith.constant 0 : i32
          %add3A_328 = arith.addi %mul3A_326, %add3A_327 : i32
          %mul3A_329 = arith.constant 16 : i32
          %mul3A_330 = arith.muli %add3A_328, %mul3A_329 : i32
          %get3A = arith.index_cast %mul3A_330 : i32 to index
          %get3A_331 = tpu.vector_load %arg7[%get3A] {strides = array<i32>} : memref<1024xi32, #tpu.memory_space<vmem>>, vector<16xi32>,
          %sub3A_332 = vector.broadcast %mul3A_257 : i32 to vector<16xi32>
          %sub3A_333 = arith.subi %get3A_331, %sub3A_332 : vector<16xi32>
          %ge3A = arith.constant 0 : i32
          %ge3A_334 = vector.broadcast %ge3A : i32 to vector<16xi32>
          %ge3A_335 = arith.cmpi sge, %sub3A_333, %ge3A_334 : vector<16xi32>
          %lt3A_336 = arith.constant 40 : i32
          %lt3A_337 = vector.broadcast %lt3A_336 : i32 to vector<16xi32>
          %lt3A_338 = arith.cmpi slt, %sub3A_333, %lt3A_337 : vector<16xi32>
          %and3A_339 = arith.andi %ge3A_335, %lt3A_338 : vector<16xi1>
          %mul3A_340 = arith.constant 16 : i32
          %mul3A_341 = arith.muli %add3A_328, %mul3A_340 : i32
          %add3A_342 = vector.broadcast %mul3A_341 : i32 to vector<16xi32>
          %add3A_343 = arith.addi %add3A_342, %iota3A : vector<16xi32>
          tpu.vector_store_idx %arg5[%sub3A_333, %add3A_343], %broadcast_in_dim3A_3 masked %and3A_339 : memref<40x1024xf32, #tpu.memory_space<vmem>>[vector<16xi32>, vector<16xi32>], vector<16xf32>, vector<16xi1>
          %mul3A_344 = arith.constant 8 : i32
          %mul3A_345 = arith.muli %scan3A_323, %mul3A_344 : i32
          %add3A_346 = arith.constant 1 : i32
          %add3A_347 = arith.addi %mul3A_345, %add3A_346 : i32
          %mul3A_348 = arith.constant 16 : i32
          %mul3A_349 = arith.muli %add3A_347, %mul3A_348 : i32
          %get3A_350 = arith.index_cast %mul3A_349 : i32 to index
          %get3A_351 = tpu.vector_load %arg7[%get3A_350] {strides = array<i32>} : memref<1024xi32, #tpu.memory_space<vmem>>, vector<16xi32>,
          %sub3A_352 = vector.broadcast %mul3A_257 : i32 to vector<16xi32>
          %sub3A_353 = arith.subi %get3A_351, %sub3A_352 : vector<16xi32>
          %ge3A_354 = arith.constant 0 : i32
          %ge3A_355 = vector.broadcast %ge3A_354 : i32 to vector<16xi32>
          %ge3A_356 = arith.cmpi sge, %sub3A_353, %ge3A_355 : vector<16xi32>
          %lt3A_357 = arith.constant 40 : i32
          %lt3A_358 = vector.broadcast %lt3A_357 : i32 to vector<16xi32>
          %lt3A_359 = arith.cmpi slt, %sub3A_353, %lt3A_358 : vector<16xi32>
          %and3A_360 = arith.andi %ge3A_356, %lt3A_359 : vector<16xi1>
          %mul3A_361 = arith.constant 16 : i32
          %mul3A_362 = arith.muli %add3A_347, %mul3A_361 : i32
          %add3A_363 = vector.broadcast %mul3A_362 : i32 to vector<16xi32>
          %add3A_364 = arith.addi %add3A_363, %iota3A : vector<16xi32>
          tpu.vector_store_idx %arg5[%sub3A_353, %add3A_364], %broadcast_in_dim3A_3 masked %and3A_360 : memref<40x1024xf32, #tpu.memory_space<vmem>>[vector<16xi32>, vector<16xi32>], vector<16xf32>, vector<16xi1>
          %mul3A_365 = arith.constant 8 : i32
          %mul3A_366 = arith.muli %scan3A_323, %mul3A_365 : i32
          %add3A_367 = arith.constant 2 : i32
          %add3A_368 = arith.addi %mul3A_366, %add3A_367 : i32
          %mul3A_369 = arith.constant 16 : i32
          %mul3A_370 = arith.muli %add3A_368, %mul3A_369 : i32
          %get3A_371 = arith.index_cast %mul3A_370 : i32 to index
          %get3A_372 = tpu.vector_load %arg7[%get3A_371] {strides = array<i32>} : memref<1024xi32, #tpu.memory_space<vmem>>, vector<16xi32>,
          %sub3A_373 = vector.broadcast %mul3A_257 : i32 to vector<16xi32>
          %sub3A_374 = arith.subi %get3A_372, %sub3A_373 : vector<16xi32>
          %ge3A_375 = arith.constant 0 : i32
          %ge3A_376 = vector.broadcast %ge3A_375 : i32 to vector<16xi32>
          %ge3A_377 = arith.cmpi sge, %sub3A_374, %ge3A_376 : vector<16xi32>
          %lt3A_378 = arith.constant 40 : i32
          %lt3A_379 = vector.broadcast %lt3A_378 : i32 to vector<16xi32>
          %lt3A_380 = arith.cmpi slt, %sub3A_374, %lt3A_379 : vector<16xi32>
          %and3A_381 = arith.andi %ge3A_377, %lt3A_380 : vector<16xi1>
          %mul3A_382 = arith.constant 16 : i32
          %mul3A_383 = arith.muli %add3A_368, %mul3A_382 : i32
          %add3A_384 = vector.broadcast %mul3A_383 : i32 to vector<16xi32>
          %add3A_385 = arith.addi %add3A_384, %iota3A : vector<16xi32>
          tpu.vector_store_idx %arg5[%sub3A_374, %add3A_385], %broadcast_in_dim3A_3 masked %and3A_381 : memref<40x1024xf32, #tpu.memory_space<vmem>>[vector<16xi32>, vector<16xi32>], vector<16xf32>, vector<16xi1>
          %mul3A_386 = arith.constant 8 : i32
          %mul3A_387 = arith.muli %scan3A_323, %mul3A_386 : i32
          %add3A_388 = arith.constant 3 : i32
          %add3A_389 = arith.addi %mul3A_387, %add3A_388 : i32
          %mul3A_390 = arith.constant 16 : i32
          %mul3A_391 = arith.muli %add3A_389, %mul3A_390 : i32
          %get3A_392 = arith.index_cast %mul3A_391 : i32 to index
          %get3A_393 = tpu.vector_load %arg7[%get3A_392] {strides = array<i32>} : memref<1024xi32, #tpu.memory_space<vmem>>, vector<16xi32>,
          %sub3A_394 = vector.broadcast %mul3A_257 : i32 to vector<16xi32>
          %sub3A_395 = arith.subi %get3A_393, %sub3A_394 : vector<16xi32>
          %ge3A_396 = arith.constant 0 : i32
          %ge3A_397 = vector.broadcast %ge3A_396 : i32 to vector<16xi32>
          %ge3A_398 = arith.cmpi sge, %sub3A_395, %ge3A_397 : vector<16xi32>
          %lt3A_399 = arith.constant 40 : i32
          %lt3A_400 = vector.broadcast %lt3A_399 : i32 to vector<16xi32>
          %lt3A_401 = arith.cmpi slt, %sub3A_395, %lt3A_400 : vector<16xi32>
          %and3A_402 = arith.andi %ge3A_398, %lt3A_401 : vector<16xi1>
          %mul3A_403 = arith.constant 16 : i32
          %mul3A_404 = arith.muli %add3A_389, %mul3A_403 : i32
          %add3A_405 = vector.broadcast %mul3A_404 : i32 to vector<16xi32>
          %add3A_406 = arith.addi %add3A_405, %iota3A : vector<16xi32>
          tpu.vector_store_idx %arg5[%sub3A_395, %add3A_406], %broadcast_in_dim3A_3 masked %and3A_402 : memref<40x1024xf32, #tpu.memory_space<vmem>>[vector<16xi32>, vector<16xi32>], vector<16xf32>, vector<16xi1>
          %mul3A_407 = arith.constant 8 : i32
          %mul3A_408 = arith.muli %scan3A_323, %mul3A_407 : i32
          %add3A_409 = arith.constant 4 : i32
          %add3A_410 = arith.addi %mul3A_408, %add3A_409 : i32
          %mul3A_411 = arith.constant 16 : i32
          %mul3A_412 = arith.muli %add3A_410, %mul3A_411 : i32
          %get3A_413 = arith.index_cast %mul3A_412 : i32 to index
          %get3A_414 = tpu.vector_load %arg7[%get3A_413] {strides = array<i32>} : memref<1024xi32, #tpu.memory_space<vmem>>, vector<16xi32>,
          %sub3A_415 = vector.broadcast %mul3A_257 : i32 to vector<16xi32>
          %sub3A_416 = arith.subi %get3A_414, %sub3A_415 : vector<16xi32>
          %ge3A_417 = arith.constant 0 : i32
          %ge3A_418 = vector.broadcast %ge3A_417 : i32 to vector<16xi32>
          %ge3A_419 = arith.cmpi sge, %sub3A_416, %ge3A_418 : vector<16xi32>
          %lt3A_420 = arith.constant 40 : i32
          %lt3A_421 = vector.broadcast %lt3A_420 : i32 to vector<16xi32>
          %lt3A_422 = arith.cmpi slt, %sub3A_416, %lt3A_421 : vector<16xi32>
          %and3A_423 = arith.andi %ge3A_419, %lt3A_422 : vector<16xi1>
          %mul3A_424 = arith.constant 16 : i32
          %mul3A_425 = arith.muli %add3A_410, %mul3A_424 : i32
          %add3A_426 = vector.broadcast %mul3A_425 : i32 to vector<16xi32>
          %add3A_427 = arith.addi %add3A_426, %iota3A : vector<16xi32>
          tpu.vector_store_idx %arg5[%sub3A_416, %add3A_427], %broadcast_in_dim3A_3 masked %and3A_423 : memref<40x1024xf32, #tpu.memory_space<vmem>>[vector<16xi32>, vector<16xi32>], vector<16xf32>, vector<16xi1>
          %mul3A_428 = arith.constant 8 : i32
          %mul3A_429 = arith.muli %scan3A_323, %mul3A_428 : i32
          %add3A_430 = arith.constant 5 : i32
          %add3A_431 = arith.addi %mul3A_429, %add3A_430 : i32
          %mul3A_432 = arith.constant 16 : i32
          %mul3A_433 = arith.muli %add3A_431, %mul3A_432 : i32
          %get3A_434 = arith.index_cast %mul3A_433 : i32 to index
          %get3A_435 = tpu.vector_load %arg7[%get3A_434] {strides = array<i32>} : memref<1024xi32, #tpu.memory_space<vmem>>, vector<16xi32>,
          %sub3A_436 = vector.broadcast %mul3A_257 : i32 to vector<16xi32>
          %sub3A_437 = arith.subi %get3A_435, %sub3A_436 : vector<16xi32>
          %ge3A_438 = arith.constant 0 : i32
          %ge3A_439 = vector.broadcast %ge3A_438 : i32 to vector<16xi32>
          %ge3A_440 = arith.cmpi sge, %sub3A_437, %ge3A_439 : vector<16xi32>
          %lt3A_441 = arith.constant 40 : i32
          %lt3A_442 = vector.broadcast %lt3A_441 : i32 to vector<16xi32>
          %lt3A_443 = arith.cmpi slt, %sub3A_437, %lt3A_442 : vector<16xi32>
          %and3A_444 = arith.andi %ge3A_440, %lt3A_443 : vector<16xi1>
          %mul3A_445 = arith.constant 16 : i32
          %mul3A_446 = arith.muli %add3A_431, %mul3A_445 : i32
          %add3A_447 = vector.broadcast %mul3A_446 : i32 to vector<16xi32>
          %add3A_448 = arith.addi %add3A_447, %iota3A : vector<16xi32>
          tpu.vector_store_idx %arg5[%sub3A_437, %add3A_448], %broadcast_in_dim3A_3 masked %and3A_444 : memref<40x1024xf32, #tpu.memory_space<vmem>>[vector<16xi32>, vector<16xi32>], vector<16xf32>, vector<16xi1>
          %mul3A_449 = arith.constant 8 : i32
          %mul3A_450 = arith.muli %scan3A_323, %mul3A_449 : i32
          %add3A_451 = arith.constant 6 : i32
          %add3A_452 = arith.addi %mul3A_450, %add3A_451 : i32
          %mul3A_453 = arith.constant 16 : i32
          %mul3A_454 = arith.muli %add3A_452, %mul3A_453 : i32
          %get3A_455 = arith.index_cast %mul3A_454 : i32 to index
          %get3A_456 = tpu.vector_load %arg7[%get3A_455] {strides = array<i32>} : memref<1024xi32, #tpu.memory_space<vmem>>, vector<16xi32>,
          %sub3A_457 = vector.broadcast %mul3A_257 : i32 to vector<16xi32>
          %sub3A_458 = arith.subi %get3A_456, %sub3A_457 : vector<16xi32>
          %ge3A_459 = arith.constant 0 : i32
          %ge3A_460 = vector.broadcast %ge3A_459 : i32 to vector<16xi32>
          %ge3A_461 = arith.cmpi sge, %sub3A_458, %ge3A_460 : vector<16xi32>
          %lt3A_462 = arith.constant 40 : i32
          %lt3A_463 = vector.broadcast %lt3A_462 : i32 to vector<16xi32>
          %lt3A_464 = arith.cmpi slt, %sub3A_458, %lt3A_463 : vector<16xi32>
          %and3A_465 = arith.andi %ge3A_461, %lt3A_464 : vector<16xi1>
          %mul3A_466 = arith.constant 16 : i32
          %mul3A_467 = arith.muli %add3A_452, %mul3A_466 : i32
          %add3A_468 = vector.broadcast %mul3A_467 : i32 to vector<16xi32>
          %add3A_469 = arith.addi %add3A_468, %iota3A : vector<16xi32>
          tpu.vector_store_idx %arg5[%sub3A_458, %add3A_469], %broadcast_in_dim3A_3 masked %and3A_465 : memref<40x1024xf32, #tpu.memory_space<vmem>>[vector<16xi32>, vector<16xi32>], vector<16xf32>, vector<16xi1>
          %mul3A_470 = arith.constant 8 : i32
          %mul3A_471 = arith.muli %scan3A_323, %mul3A_470 : i32
          %add3A_472 = arith.constant 7 : i32
          %add3A_473 = arith.addi %mul3A_471, %add3A_472 : i32
          %mul3A_474 = arith.constant 16 : i32
          %mul3A_475 = arith.muli %add3A_473, %mul3A_474 : i32
          %get3A_476 = arith.index_cast %mul3A_475 : i32 to index
          %get3A_477 = tpu.vector_load %arg7[%get3A_476] {strides = array<i32>} : memref<1024xi32, #tpu.memory_space<vmem>>, vector<16xi32>,
          %sub3A_478 = vector.broadcast %mul3A_257 : i32 to vector<16xi32>
          %sub3A_479 = arith.subi %get3A_477, %sub3A_478 : vector<16xi32>
          %ge3A_480 = arith.constant 0 : i32
          %ge3A_481 = vector.broadcast %ge3A_480 : i32 to vector<16xi32>
          %ge3A_482 = arith.cmpi sge, %sub3A_479, %ge3A_481 : vector<16xi32>
          %lt3A_483 = arith.constant 40 : i32
          %lt3A_484 = vector.broadcast %lt3A_483 : i32 to vector<16xi32>
          %lt3A_485 = arith.cmpi slt, %sub3A_479, %lt3A_484 : vector<16xi32>
          %and3A_486 = arith.andi %ge3A_482, %lt3A_485 : vector<16xi1>
          %mul3A_487 = arith.constant 16 : i32
          %mul3A_488 = arith.muli %add3A_473, %mul3A_487 : i32
          %add3A_489 = vector.broadcast %mul3A_488 : i32 to vector<16xi32>
          %add3A_490 = arith.addi %add3A_489, %iota3A : vector<16xi32>
          tpu.vector_store_idx %arg5[%sub3A_479, %add3A_490], %broadcast_in_dim3A_3 masked %and3A_486 : memref<40x1024xf32, #tpu.memory_space<vmem>>[vector<16xi32>, vector<16xi32>], vector<16xf32>, vector<16xi1>
          %scan3A_491 = arith.constant 0 : i32
          scf.yield %scan3A_491 : i32
        }
        %scan3A_317 = arith.constant 8 : i32
        %dma_start3A = arith.constant 0 : i32
        %dma_start3A_318 = tpu.memref_slice %arg3[%select_n3A_239, %mul3A_257, %dma_start3A] : memref<50x1000x1024xf32, #tpu.memory_space<hbm>> -> memref<1x40x1024xf32, #tpu.memory_space<hbm>>
        %dma_start3A_319 = tpu.memref_squeeze %dma_start3A_318 : memref<1x40x1024xf32, #tpu.memory_space<hbm>> -> memref<40x1024xf32, #tpu.memory_space<hbm>>
        %dma_start3A_320 = arith.constant 0 : i32
        %dma_start3A_321 = tpu.memref_slice %arg3[%select_n3A_239, %mul3A_257, %dma_start3A_320] : memref<50x1000x1024xf32, #tpu.memory_space<hbm>> -> memref<1x40x1024xf32, #tpu.memory_space<hbm>>
        %dma_start3A_322 = tpu.memref_squeeze %dma_start3A_321 : memref<1x40x1024xf32, #tpu.memory_space<hbm>> -> memref<40x1024xf32, #tpu.memory_space<hbm>>
        tpu.enqueue_dma source(%arg5 : memref<40x1024xf32, #tpu.memory_space<vmem>>) target(%dma_start3A_322 : memref<40x1024xf32, #tpu.memory_space<hbm>>) target_semaphore(%arg9 : memref<!tpu.dma_semaphore, #tpu.memory_space<semaphore_mem>>)
      } else {
      }
      %scan3A_310 = arith.constant 0 : i32
      scf.yield %scan3A_310 : i32
    }
    %scan3A_16 = arith.constant 20 : i32
    %add3A_17 = arith.constant 1216 : i32
    %add3A_18 = arith.addi %add3A_17, %add3A : i32
    %jit3A = arith.constant 25 : i32
    %div3A = arith.divsi %add3A_18, %jit3A : i32
    %sign3A = arith.constant 0 : i32
    %sign3A_19 = arith.cmpi sgt, %add3A_18, %sign3A : i32
    %sign3A_20 = arith.extui %sign3A_19 : i1 to i32
    %sign3A_21 = arith.constant 0 : i32
    %sign3A_22 = arith.cmpi slt, %add3A_18, %sign3A_21 : i32
    %sign3A_23 = arith.extui %sign3A_22 : i1 to i32
    %sign3A_24 = arith.subi %sign3A_20, %sign3A_23 : i32
    %sign3A_25 = arith.constant 0 : i32
    %sign3A_26 = arith.cmpi sgt, %jit3A, %sign3A_25 : i32
    %sign3A_27 = arith.extui %sign3A_26 : i1 to i32
    %sign3A_28 = arith.constant 0 : i32
    %sign3A_29 = arith.cmpi slt, %jit3A, %sign3A_28 : i32
    %sign3A_30 = arith.extui %sign3A_29 : i1 to i32
    %sign3A_31 = arith.subi %sign3A_27, %sign3A_30 : i32
    %ne3A = arith.cmpi ne, %sign3A_24, %sign3A_31 : i32
    %rem3A = arith.remsi %add3A_18, %jit3A : i32
    %ne3A_32 = arith.constant 0 : i32
    %ne3A_33 = arith.cmpi ne, %rem3A, %ne3A_32 : i32
    %and3A = arith.andi %ne3A, %ne3A_33 : i1
    %sub3A = arith.constant 1 : i32
    %sub3A_34 = arith.subi %div3A, %sub3A : i32
    %select_n3A = arith.select %and3A, %sub3A_34, %div3A : i32
    %jit3A_35 = arith.constant 25 : i32
    %eq3A = arith.constant 0 : i32
    %eq3A_36 = arith.cmpi eq, %jit3A_35, %eq3A : i32
    %jit3A_37 = arith.constant 1 : i32
    %select_n3A_38 = arith.select %eq3A_36, %jit3A_37, %jit3A_35 : i32
    %rem3A_39 = arith.remsi %add3A_18, %select_n3A_38 : i32
    %ne3A_40 = arith.constant 0 : i32
    %ne3A_41 = arith.cmpi ne, %rem3A_39, %ne3A_40 : i32
    %lt3A = arith.constant 0 : i32
    %lt3A_42 = arith.cmpi slt, %rem3A_39, %lt3A : i32
    %lt3A_43 = arith.constant 0 : i32
    %lt3A_44 = arith.cmpi slt, %select_n3A_38, %lt3A_43 : i32
    %ne3A_45 = arith.xori %lt3A_42, %lt3A_44 : i1
    %and3A_46 = arith.andi %ne3A_45, %ne3A_41 : i1
    %add3A_47 = arith.addi %rem3A_39, %select_n3A_38 : i32
    %select_n3A_48 = arith.select %and3A_46, %add3A_47, %rem3A_39 : i32
    %mul3A_49 = arith.constant 40 : i32
    %mul3A_50 = arith.muli %select_n3A_48, %mul3A_49 : i32
    %lt3A_51 = arith.constant 1250 : i32
    %lt3A_52 = arith.cmpi slt, %add3A_18, %lt3A_51 : i32
    %convert_element_type3A = arith.extui %lt3A_52 : i1 to i32
    %cond3A = arith.constant 0 : i32
    %cond3A_53 = arith.cmpi ne, %convert_element_type3A, %cond3A : i32
    scf.if %cond3A_53 {
      %dma_wait3A = arith.constant 0 : i32
      %dma_wait3A_103 = tpu.memref_slice %arg3[%select_n3A, %mul3A_50, %dma_wait3A] : memref<50x1000x1024xf32, #tpu.memory_space<hbm>> -> memref<1x40x1024xf32, #tpu.memory_space<hbm>>
      %dma_wait3A_104 = tpu.memref_squeeze %dma_wait3A_103 : memref<1x40x1024xf32, #tpu.memory_space<hbm>> -> memref<40x1024xf32, #tpu.memory_space<hbm>>
      %dma_wait3A_105 = arith.constant 0 : i32
      %dma_wait3A_106 = tpu.memref_slice %arg3[%select_n3A, %mul3A_50, %dma_wait3A_105] : memref<50x1000x1024xf32, #tpu.memory_space<hbm>> -> memref<1x40x1024xf32, #tpu.memory_space<hbm>>
      %dma_wait3A_107 = tpu.memref_squeeze %dma_wait3A_106 : memref<1x40x1024xf32, #tpu.memory_space<hbm>> -> memref<40x1024xf32, #tpu.memory_space<hbm>>
      tpu.wait_dma2 semaphore(%arg8 : memref<!tpu.dma_semaphore, #tpu.memory_space<semaphore_mem>>) src(%arg4 : memref<40x1024xf32, #tpu.memory_space<vmem>>) dst(%dma_wait3A_107 : memref<40x1024xf32, #tpu.memory_space<hbm>>)
    } else {
    }
    %add3A_54 = arith.constant 1248 : i32
    %add3A_55 = arith.addi %add3A_54, %add3A : i32
    %jit3A_56 = arith.constant 25 : i32
    %div3A_57 = arith.divsi %add3A_55, %jit3A_56 : i32
    %sign3A_58 = arith.constant 0 : i32
    %sign3A_59 = arith.cmpi sgt, %add3A_55, %sign3A_58 : i32
    %sign3A_60 = arith.extui %sign3A_59 : i1 to i32
    %sign3A_61 = arith.constant 0 : i32
    %sign3A_62 = arith.cmpi slt, %add3A_55, %sign3A_61 : i32
    %sign3A_63 = arith.extui %sign3A_62 : i1 to i32
    %sign3A_64 = arith.subi %sign3A_60, %sign3A_63 : i32
    %sign3A_65 = arith.constant 0 : i32
    %sign3A_66 = arith.cmpi sgt, %jit3A_56, %sign3A_65 : i32
    %sign3A_67 = arith.extui %sign3A_66 : i1 to i32
    %sign3A_68 = arith.constant 0 : i32
    %sign3A_69 = arith.cmpi slt, %jit3A_56, %sign3A_68 : i32
    %sign3A_70 = arith.extui %sign3A_69 : i1 to i32
    %sign3A_71 = arith.subi %sign3A_67, %sign3A_70 : i32
    %ne3A_72 = arith.cmpi ne, %sign3A_64, %sign3A_71 : i32
    %rem3A_73 = arith.remsi %add3A_55, %jit3A_56 : i32
    %ne3A_74 = arith.constant 0 : i32
    %ne3A_75 = arith.cmpi ne, %rem3A_73, %ne3A_74 : i32
    %and3A_76 = arith.andi %ne3A_72, %ne3A_75 : i1
    %sub3A_77 = arith.constant 1 : i32
    %sub3A_78 = arith.subi %div3A_57, %sub3A_77 : i32
    %select_n3A_79 = arith.select %and3A_76, %sub3A_78, %div3A_57 : i32
    %jit3A_80 = arith.constant 25 : i32
    %eq3A_81 = arith.constant 0 : i32
    %eq3A_82 = arith.cmpi eq, %jit3A_80, %eq3A_81 : i32
    %jit3A_83 = arith.constant 1 : i32
    %select_n3A_84 = arith.select %eq3A_82, %jit3A_83, %jit3A_80 : i32
    %rem3A_85 = arith.remsi %add3A_55, %select_n3A_84 : i32
    %ne3A_86 = arith.constant 0 : i32
    %ne3A_87 = arith.cmpi ne, %rem3A_85, %ne3A_86 : i32
    %lt3A_88 = arith.constant 0 : i32
    %lt3A_89 = arith.cmpi slt, %rem3A_85, %lt3A_88 : i32
    %lt3A_90 = arith.constant 0 : i32
    %lt3A_91 = arith.cmpi slt, %select_n3A_84, %lt3A_90 : i32
    %ne3A_92 = arith.xori %lt3A_89, %lt3A_91 : i1
    %and3A_93 = arith.andi %ne3A_92, %ne3A_87 : i1
    %add3A_94 = arith.addi %rem3A_85, %select_n3A_84 : i32
    %select_n3A_95 = arith.select %and3A_93, %add3A_94, %rem3A_85 : i32
    %mul3A_96 = arith.constant 40 : i32
    %mul3A_97 = arith.muli %select_n3A_95, %mul3A_96 : i32
    %lt3A_98 = arith.constant 1250 : i32
    %lt3A_99 = arith.cmpi slt, %add3A_55, %lt3A_98 : i32
    %convert_element_type3A_100 = arith.extui %lt3A_99 : i1 to i32
    %cond3A_101 = arith.constant 0 : i32
    %cond3A_102 = arith.cmpi ne, %convert_element_type3A_100, %cond3A_101 : i32
    scf.if %cond3A_102 {
      %dma_wait3A = arith.constant 0 : i32
      %dma_wait3A_103 = tpu.memref_slice %arg3[%select_n3A_79, %mul3A_97, %dma_wait3A] : memref<50x1000x1024xf32, #tpu.memory_space<hbm>> -> memref<1x40x1024xf32, #tpu.memory_space<hbm>>
      %dma_wait3A_104 = tpu.memref_squeeze %dma_wait3A_103 : memref<1x40x1024xf32, #tpu.memory_space<hbm>> -> memref<40x1024xf32, #tpu.memory_space<hbm>>
      %dma_wait3A_105 = arith.constant 0 : i32
      %dma_wait3A_106 = tpu.memref_slice %arg3[%select_n3A_79, %mul3A_97, %dma_wait3A_105] : memref<50x1000x1024xf32, #tpu.memory_space<hbm>> -> memref<1x40x1024xf32, #tpu.memory_space<hbm>>
      %dma_wait3A_107 = tpu.memref_squeeze %dma_wait3A_106 : memref<1x40x1024xf32, #tpu.memory_space<hbm>> -> memref<40x1024xf32, #tpu.memory_space<hbm>>
      tpu.wait_dma2 semaphore(%arg9 : memref<!tpu.dma_semaphore, #tpu.memory_space<semaphore_mem>>) src(%arg5 : memref<40x1024xf32, #tpu.memory_space<vmem>>) dst(%dma_wait3A_107 : memref<40x1024xf32, #tpu.memory_space<hbm>>)
    } else {
    }
    return
  }
}

</mosaic_0001>

<sc_bundles>
// kernel: _onehot_sc.3.cloned.1.call-start
scs
__scs_entry_jumppad:
0x0: {  	(pc) =	sbr.rel $0x88, $3  }
0x1: {  	(tag) =	ssettag $0x0;
	lr =	simm.s32 $0x1  }
0x2: {  	[smem:$0x3FA0] =	sst lr;
	_ =	strace $0xD0000000  }
0x3: {  	_ = 	snop  }
0x4: {  	_ = 	snop  }
0x5: {  	_ = 	snop  }
0x6: {  	_ = 	snop  }
0x7: {  	_ = 	snop  }
__scs_overlays_trampoline_lowered:
0x8: {  	[smem:$0x3FAF] =	sst s0  }
0x9: {  	[smem:$0x3FB0] =	sst s1  }
0xa: {  	[smem:$0x3FB1] =	sst s2  }
0xb: {  	[smem:$0x3FB2] =	sst s3  }
0xc: {  	[smem:$0x3FB3] =	sst s4  }
0xd: {  	[smem:$0x3FB4] =	sst s5  }
0xe: {  	[smem:$0x3FB5] =	sst s6  }
0xf: {  	[smem:$0x3FB6] =	sst s7  }
0x10: {  	[smem:$0x3FB7] =	sst s8  }
0x11: {  	[smem:$0x3FB8] =	sst s9;
	s0 =	simm.s32 @!p0 $0x0  }
0x12: {  	s1 =	sld [smem:$0x3F9E];
	s0 =	simm.s32 @p0 $0x1  }
0x13: {  	[smem:$0x3FB9] =	sst s0;
	s0 =	simm.s32 @!p1 $0x0  }
0x14: {  	s2 =	sld [smem:$0x3F9D];
	s0 =	simm.s32 @p1 $0x1  }
0x15: {  	[smem:$0x3FBA] =	sst s0;
	s0 =	simm.s32 @!p2 $0x0  }
0x16: {  	s3 =	sld [smem:$0x3FDB];
	s0 =	simm.s32 @p2 $0x1  }
0x17: {  	s4 =	simm.s32 $0x1BF5;
	[smem:$0x3FBC] =	sst s0  }
0x18: {  	s0 =	sld [smem:$0x3F9F];
	_ =	swait.ge [sflag:s4], $0x0  }
0x19: {  	s7 =	sld [smem:$0x3FA0]  }
0x1a: {  	s8 =	sadd.s32 $0xFFFFE003, lr  }
0x1b: {  	s9 =	sadd.s32 $0xFFFFFEF7, lr;
	s5 =	simm.s32 $0xFFFFFFFF;
	p2 =	slt.u32 s8, $0xFFFFF086  }
0x1c: {  	p1 =	slt.u32 s9, $0xF7A;
	s5 =	simm.s32 @!p2 $0x0  }
0x1d: {  	s5 =	simm.s32 @p1 $0x1;
	p0 =	seq.s32 s7, s2  }
0x1e: {  	s7 =	smul.u32 @!p0 $0xF7A, s2;
	p2 =	seq.s32 @!p0 s5, $0x0  }
0x1f: {  	s9 =	smul.u32 $0xF7A, s1;
	s8 =	simm.s32 @!p0 $0x1BF5;
	p2 =	por !p2, p0  }
0x20: {  	[sflag:s8] =	ssyncset.s32 @!p0 $0xFFFFF086;
	s6 =	sadd.s32 @!p0 s3, s7;
	s7 =	simm.s32 @!p0 $0x108  }
0x21: {  	s3 =	sadd.s32 s3, s9;
	s6 =	sadd.s32 @!p0 $0x88, s6;
	s7 =	simm.s32 @p2 $0x1082  }
0x22: {  	[simem:s7], [sflag:s8] =	dma.local @!p0 [hbm:s6], $0xF7A  }
0x23: {  	s9 =	sor.u32 $0xD0000000, s2;
	s6 =	simm.s32 $0x108;
	_ =	swait.ge @!p0 [sflag:s8], $0x0  }
0x24: {  	s3 =	sadd.s32 $0x88, s3;
	s6 =	simm.s32 @!p1 $0x1082;
	[sflag:s4] =	ssyncset.s32 $0xFFFFF086  }
0x25: {  	[simem:s6], [sflag:s4] =	dma.local [hbm:s3], $0xF7A  }
0x26: {  	[smem:$0x3FA0] =	sst s1;
	(tag) =	ssettag s2;
	_ =	strace s9  }
0x27: {  	s1 =	sld [smem:$0x3FB0]  }
0x28: {  	s2 =	sld [smem:$0x3FB1]  }
0x29: {  	s4 =	sld [smem:$0x3FB3]  }
0x2a: {  	p0 =	seq.s32 s5, $0x0;
	s5 =	sld [smem:$0x3FB4]  }
0x2b: {  	s6 =	sld [smem:$0x3FB5]  }
0x2c: {  	s7 =	sld [smem:$0x3FB6]  }
0x2d: {  	s3 =	simm.s32 $0x108;
	s8 =	sld [smem:$0x3FB7]  }
0x2e: {  	s3 =	simm.s32 @!p0 $0x1082;
	s9 =	sld [smem:$0x3FB8]  }
0x2f: {  	lr =	sadd.s32 s0, s3;
	s0 =	sld [smem:$0x3FAF]  }
0x30: {  	s3 =	sld [smem:$0x3FB2]  }
0x31: {  	[smem:$0x3FBB] =	sst s10  }
0x32: {  	s10 =	sld [smem:$0x3FB9];
	_ =	sdelay $0x3  }
0x33: {  	p0 =	seq.s32 s10, $0x1;
	s10 =	sld [smem:$0x3FBB];
	_ =	sdelay $0x3  }
0x34: {  	[smem:$0x3FBB] =	sst s10  }
0x35: {  	s10 =	sld [smem:$0x3FBA];
	_ =	sdelay $0x3  }
0x36: {  	p1 =	seq.s32 s10, $0x1;
	s10 =	sld [smem:$0x3FBB];
	_ =	sdelay $0x3  }
0x37: {  	[smem:$0x3FBB] =	sst s10  }
0x38: {  	s10 =	sld [smem:$0x3FBC]  }
0x39: {  	_ = 	snop;
	(pc) =	sbr.ind lr, $3  }
0x3a: {  	_ = 	snop  }
0x3b: {  	_ = 	snop  }
0x3c: {  	p2 =	seq.s32 s10, $0x1;
	s10 =	sld [smem:$0x3FBB]  }
0x3d: {  	_ =	shalt  }
0x3e: {  	_ =	shalt  }
0x3f: {  	_ =	shalt  }
0x40: {  	_ =	shalt  }
0x41: {  	_ =	shalt  }
0x42: {  	_ =	shalt  }
0x43: {  	_ =	shalt  }
0x44: {  	_ =	shalt  }
0x45: {  	_ =	shalt  }
0x46: {  	_ =	shalt  }
0x47: {  	_ =	shalt  }
0x48: {  	_ =	shalt  }
0x49: {  	_ =	shalt  }
0x4a: {  	_ =	shalt  }
0x4b: {  	_ =	shalt  }
0x4c: {  	_ =	shalt  }
0x4d: {  	_ =	shalt  }
0x4e: {  	_ =	shalt  }
0x4f: {  	_ =	shalt  }
0x50: {  	_ =	shalt  }
0x51: {  	_ =	shalt  }
0x52: {  	_ =	shalt  }
0x53: {  	_ =	shalt  }
0x54: {  	_ =	shalt  }
0x55: {  	_ =	shalt  }
0x56: {  	_ =	shalt  }
0x57: {  	_ =	shalt  }
0x58: {  	_ =	shalt  }
0x59: {  	_ =	shalt  }
0x5a: {  	_ =	shalt  }
0x5b: {  	_ =	shalt  }
0x5c: {  	_ =	shalt  }
0x5d: {  	_ =	shalt  }
0x5e: {  	_ =	shalt  }
0x5f: {  	_ =	shalt  }
0x60: {  	_ =	shalt  }
0x61: {  	_ =	shalt  }
0x62: {  	_ =	shalt  }
0x63: {  	_ =	shalt  }
0x64: {  	_ =	shalt  }
0x65: {  	_ =	shalt  }
0x66: {  	_ =	shalt  }
0x67: {  	_ =	shalt  }
0x68: {  	_ =	shalt  }
0x69: {  	_ =	shalt  }
0x6a: {  	_ =	shalt  }
0x6b: {  	_ =	shalt  }
0x6c: {  	_ =	shalt  }
0x6d: {  	_ =	shalt  }
0x6e: {  	_ =	shalt  }
0x6f: {  	_ =	shalt  }
0x70: {  	_ =	shalt  }
0x71: {  	_ =	shalt  }
0x72: {  	_ =	shalt  }
0x73: {  	_ =	shalt  }
0x74: {  	_ =	shalt  }
0x75: {  	_ =	shalt  }
0x76: {  	_ =	shalt  }
0x77: {  	_ =	shalt  }
0x78: {  	_ =	shalt  }
0x79: {  	_ =	shalt  }
0x7a: {  	_ =	shalt  }
0x7b: {  	_ =	shalt  }
0x7c: {  	_ =	shalt  }
0x7d: {  	_ =	shalt  }
0x7e: {  	_ =	shalt  }
0x7f: {  	_ =	shalt  }
0x80: {  	_ =	shalt  }
0x81: {  	_ =	shalt  }
0x82: {  	_ =	shalt  }
0x83: {  	_ =	shalt  }
0x84: {  	_ =	shalt  }
0x85: {  	_ =	shalt  }
0x86: {  	_ =	shalt  }
0x87: {  	_ =	shalt  }
.Lfunc_end0:
.L_simem_size_0:
called_computation_lowered:
.L_overlay_start_0:
0x88: {  	s2 =	sld [smem:$0x3FD9]  }
0x89: {  	s3 =	sld [smem:$0x3FFE];
	_ =	sdelay $0x1  }
0x8a: {  	s1 =	srdreg.scid  }
0x8b: {  	s0 =	sand.u32 $0x1, s1  }
0x8c: {  	s18 =	sshll.u32 s0, $0xA;
	s2 =	sadd.s32 s3, s2  }
0x8d: {  	s2 =	sadd.s32 s2, s18  }
0x8e: {  	[smem:$0x3FC7] =	sst s2  }
0x8f: {  	_ = 	snop  }
0x90: {  	s2 =	sld [smem:$0x3FC9]  }
0x91: {  	s19 =	sld [smem:$0x3FD0];
	(tm) =	ssettm $0x1  }
0x92: {  	s4 =	sld [smem:$0x3FFB];
	_ =	sdelay $0x3  }
0x93: {  	_ =	strace s4  }
0x94: {  	s4 =	sld [smem:$0x3FFC];
	_ =	sdelay $0x3  }
0x95: {  	_ =	strace s4  }
0x96: {  	s4 =	sld [smem:$0x3FFD];
	_ =	sdelay $0x3  }
0x97: {  	_ =	strace s4  }
0x98: {  	_ =	strace $0x8FFFFFFF  }
0x99: {  	s20 =	sld [smem:$0x3FDB];
	_ =	sdelay $0x1  }
0x9a: {  	s5 =	simm.s32 $_scs_section_size  }
0x9b: {  	s6 =	simm.s32 $_size__tile_overlayer_lowered;
	s7 =	simm.s32 $_tile_overlayer_lowered  }
0x9c: {  	s23 =	simm.s32 $0x1BFF;
	s22 =	sshll.u32 s7, $0x1;
	s4 =	sadd.s32 s5, s20  }
0x9d: {  	s8 =	simm.s32 $0x0;
	s21 =	sshll.u32 s6, $0x1;
	s6 =	sadd.s32 s22, s4  }
0x9e: {  	[timem:s8], [sflag:s23] =	dma.local [hbm:s6], s21  }
0x9f: {  	_ =	swait.ge [sflag:s23], s21  }
0xa0: {  	s5 =	ssub.s32 $0x0, s21;
	[sflag:s23] =	ssyncset.done $0x0  }
0xa1: {  	[sflag:s23] =	ssyncadd.s32 s5;
	_ =	sdelay $0x1  }
0xa2: {  	s24 =	simm.s32 $0x1B8B  }
0xa3: {  	_ =	swait.ge [sflag:s24], $0x1  }
0xa4: {  	[sflag:s24] =	ssyncset.done $0x0  }
0xa5: {  	s25 =	simm.s32 $0x1B8E;
	[sflag:s24] =	ssyncadd.s32 $0xFFFFFFFF  }
0xa6: {  	s26 =	simm.s32 $execute0_lowered;
	[smem:$0x3FD2] =	sst s25  }
0xa7: {  	s5 =	sshll.u32 s26, $0x1;
	_ =	strace $0x80000046;
	[dreg:$0x1] =	wrdreg $0xFFFFFFFF  }
0xa8: {  	s28 =	simm.s32 $_size_execute0_lowered;
	s4 =	sadd.s32 s4, s5;
	[dreg:$0x0] =	wrdreg $0x0  }
0xa9: {  	s5 =	sshll.u32 s28, $0x1;
	[dreg:$0x2] =	wrdreg s4  }
0xaa: {  	[dreg:$0x3] =	wrdreg s5  }
0xab: {  	[dreg:$0x4] =	wrdreg $0xC0  }
0xac: {  	_ =	task [dreg:s8], $0x5FFFF  }
0xad: {  	[dreg:$0x1] =	wrdreg $0xFFFFFFFF  }
0xae: {  	[dreg:$0x0] =	wrdreg $0x60  }
0xaf: {  	[dreg:$0x2] =	wrdreg s2  }
0xb0: {  	[dreg:$0x3] =	wrdreg s19  }
0xb1: {  	[dreg:$0x4] =	wrdreg $0x9  }
0xb2: {  	_ =	task.clear_ibuf [dreg:s8], $0x5FFFF;
	_ =	strace $0x90000046  }
0xb3: {  	s29 =	simm.s32 $0x9;
	_ =	strace $0x80000048  }
0xb4: {  	_ =	swait.ge [sflag:s29], $0x1  }
0xb5: {  	[sflag:s29] =	ssyncadd.s32 $0xFFFFFFFF  }
0xb6: {  	_ =	strace $0x90000048  }
0xb7: {  	_ =	sfence  }
0xb8: {  	s30 =	sld [smem:$0x0];
	_ =	sdelay $0x2  }
0xb9: {  	s31 =	sshll.u32 s1, $0xD;
	s1 =	sshrl.u32 s1, $0x2  }
0xba: {  	s3 =	sand.u32 $0x4000, s31;
	s1 =	sadd.s32 s1, s30  }
0xbb: {  	s0 =	sor.u32 s3, s0;
	s1 =	sshll.u32 s1, $0x11  }
0xbc: {  	s0 =	sor.u32 s1, s0  }
0xbd: {  	s0 =	sadd.s32 $0x8F2B, s0  }
0xbe: {  	[sflag:s0] =	ssyncadd.remote.s32 $0x1  }
0xbf: {  	_ =	sfence.sel $0xFFFF  }
0xc0: {  	[dreg:$0x0] =	wrdreg $0xFFFFFFFF;
	(pc) =	sbr.abs _section_cstart, $3  }
0xc1: {  	[dreg:$0x1] =	wrdreg $0xFFFFFFFF  }
0xc2: {  	_ =	task.clear_ibuf [dreg:s8], $0x2FFFF;
	_ =	strace $0x9FFFFFFF  }
0xc3: {  	(tm) =	ssettm $0x7FFFFFFF  }
tec
execute0_lowered:
.L_overlay_start_1:
0x0: {  	(tag) =	ssettag $0x1  }
0x1: {  	s1 =	rddreg [dreg:$0x0]  }
0x2: {  	s0 =	srdreg.scid;
	s2 =	rddreg [dreg:$0x1];
	s4 =	simm.s32 $0x0  }
0x3: {  	s13 =	stileid.u32;
	s7 =	simm.s32 $0x80;
	s8 =	simm.s32 $0x400  }
0x4: {  	s9 =	simm.s32 $0x14000;
	s10 =	simm.s32 $0x3;
	s11 =	simm.s32 $0x14400  }
.Ltmp0:
0x5: {  	s12 =	simm.s32 $0xA000;
	s3 =	sand.u32 $0x1, s0;
	(pc) =	sbr.rel .LBB2_1-.Ltmp0, $4  }
0x6: {  	v0 =	vlaneseq.u32;
	s14 =	simm.s32 $0x2;
	s0 =	rddreg [dreg:$0x2];
	s5 =	ssub.s32 $0x2, s3  }
0x7: {  	v1 =	vimm.f32 $0.0e+00;
	v2 =	vimm.f32 $1.000000000e+00;
	s15 =	simm.s32 $0x0;
	[smem:$0x7FF] =	sst s4;
	v3 =	vor.u32 $0x10, v0;
	s6 =	sshrl.u32 s5, $0x1  }
0x8: {  	v4 =	vor.u32 $0x20, v0;
	v5 =	vor.u32 $0x30, v0;
	v6 =	vor.u32 $0x40, v0;
	p0 =	sne.s32 s13, $0x0;
	_ =	strace $0x80000047;
	s6 =	ssub.s32 s5, s6  }
0x9: {  	v7 =	vor.u32 $0x50, v0;
	v8 =	vor.u32 $0x60, v0;
	v9 =	vor.u32 $0x70, v0;
	s5 =	sshll.u32 s13, $0x1;
	s13 =	simm.s32 $0x1;
	s6 =	smax.u32 s6, $0x1  }
.LBB2_17:
0xa: {  	s15 =	sadd.s32 $0x1, s15  }
0xb: {  	_ =	swait.ge [sflag:s13], $0xA000;
	p1 =	sne.s32 s15, s6  }
.Ltmp1:
0xc: {  	[sflag:s13] =	ssyncset.done $0x0;
	(pc) =	sbr.rel @!p1 .LBB2_18-.Ltmp1, $4  }
0xd: {  	s16 =	simm.s32 @!p0 $0x2;
	[sflag:s13] =	ssyncadd.s32 $0xFFFF6000  }
0xe: {  	_ =	swait.ge @!p0 [sflag:s16], $0xA000  }
0xf: {  	[sflag:s16] =	ssyncset.done @!p0 $0x0  }
0x10: {  	[sflag:s16] =	ssyncadd.s32 @!p0 $0xFFFF6000  }
.LBB2_1:
0x11: {  	s16 =	simm.s32 $0xFFFF6000  }
0x12: {  	s17 =	simm.s32 $0x0;
	s18 =	simm.s32 $0x0;
	s19 =	simm.s32 $0x0  }
.LBB2_2:
0x13: {  	s20 =	sadd.s32 $0xA000, s16  }
0x14: {  	s21 =	sand.u32 $0x380, s19;
	s20 =	sand.u32 $0xE000, s20  }
0x15: {  	s20 =	sor.u32 s21, s20  }
0x16: {  	[tilespmem:s20+$0x0] =	vst v1  }
0x17: {  	[tilespmem:s20+$0xA000] =	vst v1  }
0x18: {  	[tilespmem:s20+$0x10] =	vst v1  }
0x19: {  	[tilespmem:s20+$0xA010] =	vst v1  }
0x1a: {  	[tilespmem:s20+$0x20] =	vst v1  }
0x1b: {  	[tilespmem:s20+$0xA020] =	vst v1  }
0x1c: {  	[tilespmem:s20+$0x30] =	vst v1  }
0x1d: {  	[tilespmem:s20+$0xA030] =	vst v1  }
0x1e: {  	[tilespmem:s20+$0x40] =	vst v1  }
0x1f: {  	[tilespmem:s20+$0xA040] =	vst v1  }
0x20: {  	[tilespmem:s20+$0x50] =	vst v1  }
0x21: {  	[tilespmem:s20+$0xA050] =	vst v1  }
0x22: {  	[tilespmem:s20+$0x60] =	vst v1  }
0x23: {  	[tilespmem:s20+$0xA060] =	vst v1  }
0x24: {  	[tilespmem:s20+$0x70] =	vst v1  }
0x25: {  	[tilespmem:s20+$0xA070] =	vst v1  }
0x26: {  	[tilespmem:s20+$0x400] =	vst v1  }
0x27: {  	[tilespmem:s20+$0xA400] =	vst v1  }
0x28: {  	[tilespmem:s20+$0x410] =	vst v1  }
0x29: {  	[tilespmem:s20+$0xA410] =	vst v1  }
0x2a: {  	[tilespmem:s20+$0x420] =	vst v1  }
0x2b: {  	[tilespmem:s20+$0xA420] =	vst v1  }
0x2c: {  	[tilespmem:s20+$0x430] =	vst v1  }
0x2d: {  	[tilespmem:s20+$0xA430] =	vst v1  }
0x2e: {  	[tilespmem:s20+$0x440] =	vst v1  }
0x2f: {  	[tilespmem:s20+$0xA440] =	vst v1  }
0x30: {  	[tilespmem:s20+$0x450] =	vst v1  }
0x31: {  	[tilespmem:s20+$0xA450] =	vst v1  }
0x32: {  	[tilespmem:s20+$0x460] =	vst v1  }
0x33: {  	[tilespmem:s20+$0xA460] =	vst v1  }
0x34: {  	[tilespmem:s20+$0x470] =	vst v1  }
0x35: {  	[tilespmem:s20+$0xA470] =	vst v1  }
0x36: {  	[tilespmem:s20+$0x800] =	vst v1  }
0x37: {  	[tilespmem:s20+$0xA800] =	vst v1  }
0x38: {  	[tilespmem:s20+$0x810] =	vst v1  }
0x39: {  	[tilespmem:s20+$0xA810] =	vst v1  }
0x3a: {  	[tilespmem:s20+$0x820] =	vst v1  }
0x3b: {  	[tilespmem:s20+$0xA820] =	vst v1  }
0x3c: {  	[tilespmem:s20+$0x830] =	vst v1  }
0x3d: {  	[tilespmem:s20+$0xA830] =	vst v1  }
0x3e: {  	[tilespmem:s20+$0x840] =	vst v1  }
0x3f: {  	[tilespmem:s20+$0xA840] =	vst v1  }
0x40: {  	[tilespmem:s20+$0x850] =	vst v1  }
0x41: {  	[tilespmem:s20+$0xA850] =	vst v1  }
0x42: {  	[tilespmem:s20+$0x860] =	vst v1  }
0x43: {  	[tilespmem:s20+$0xA860] =	vst v1  }
0x44: {  	[tilespmem:s20+$0x870] =	vst v1  }
0x45: {  	[tilespmem:s20+$0xA870] =	vst v1  }
0x46: {  	[tilespmem:s20+$0xC00] =	vst v1  }
0x47: {  	[tilespmem:s20+$0xAC00] =	vst v1  }
0x48: {  	[tilespmem:s20+$0xC10] =	vst v1  }
0x49: {  	[tilespmem:s20+$0xAC10] =	vst v1  }
0x4a: {  	[tilespmem:s20+$0xC20] =	vst v1  }
0x4b: {  	[tilespmem:s20+$0xAC20] =	vst v1  }
0x4c: {  	[tilespmem:s20+$0xC30] =	vst v1  }
0x4d: {  	[tilespmem:s20+$0xAC30] =	vst v1  }
0x4e: {  	[tilespmem:s20+$0xC40] =	vst v1  }
0x4f: {  	[tilespmem:s20+$0xAC40] =	vst v1  }
0x50: {  	[tilespmem:s20+$0xC50] =	vst v1  }
0x51: {  	[tilespmem:s20+$0xAC50] =	vst v1  }
0x52: {  	[tilespmem:s20+$0xC60] =	vst v1  }
0x53: {  	[tilespmem:s20+$0xAC60] =	vst v1  }
0x54: {  	[tilespmem:s20+$0xC70] =	vst v1  }
0x55: {  	[tilespmem:s20+$0xAC70] =	vst v1  }
0x56: {  	[tilespmem:s20+$0x1000] =	vst v1  }
0x57: {  	[tilespmem:s20+$0xB000] =	vst v1  }
0x58: {  	[tilespmem:s20+$0x1010] =	vst v1  }
0x59: {  	[tilespmem:s20+$0xB010] =	vst v1  }
0x5a: {  	[tilespmem:s20+$0x1020] =	vst v1  }
0x5b: {  	[tilespmem:s20+$0xB020] =	vst v1  }
0x5c: {  	[tilespmem:s20+$0x1030] =	vst v1  }
0x5d: {  	[tilespmem:s20+$0xB030] =	vst v1  }
0x5e: {  	[tilespmem:s20+$0x1040] =	vst v1  }
0x5f: {  	[tilespmem:s20+$0xB040] =	vst v1  }
0x60: {  	[tilespmem:s20+$0x1050] =	vst v1  }
0x61: {  	[tilespmem:s20+$0xB050] =	vst v1  }
0x62: {  	[tilespmem:s20+$0x1060] =	vst v1  }
0x63: {  	[tilespmem:s20+$0xB060] =	vst v1  }
0x64: {  	[tilespmem:s20+$0x1070] =	vst v1  }
0x65: {  	[tilespmem:s20+$0xB070] =	vst v1  }
0x66: {  	[tilespmem:s20+$0x1400] =	vst v1  }
0x67: {  	[tilespmem:s20+$0xB400] =	vst v1  }
0x68: {  	[tilespmem:s20+$0x1410] =	vst v1  }
0x69: {  	[tilespmem:s20+$0xB410] =	vst v1  }
0x6a: {  	[tilespmem:s20+$0x1420] =	vst v1  }
0x6b: {  	[tilespmem:s20+$0xB420] =	vst v1  }
0x6c: {  	[tilespmem:s20+$0x1430] =	vst v1  }
0x6d: {  	[tilespmem:s20+$0xB430] =	vst v1  }
0x6e: {  	[tilespmem:s20+$0x1440] =	vst v1  }
0x6f: {  	[tilespmem:s20+$0xB440] =	vst v1  }
0x70: {  	[tilespmem:s20+$0x1450] =	vst v1  }
0x71: {  	[tilespmem:s20+$0xB450] =	vst v1  }
0x72: {  	[tilespmem:s20+$0x1460] =	vst v1  }
0x73: {  	[tilespmem:s20+$0xB460] =	vst v1  }
0x74: {  	[tilespmem:s20+$0x1470] =	vst v1  }
0x75: {  	[tilespmem:s20+$0xB470] =	vst v1  }
0x76: {  	[tilespmem:s20+$0x1800] =	vst v1  }
0x77: {  	[tilespmem:s20+$0xB800] =	vst v1  }
0x78: {  	[tilespmem:s20+$0x1810] =	vst v1  }
0x79: {  	[tilespmem:s20+$0xB810] =	vst v1  }
0x7a: {  	[tilespmem:s20+$0x1820] =	vst v1  }
0x7b: {  	[tilespmem:s20+$0xB820] =	vst v1  }
0x7c: {  	[tilespmem:s20+$0x1830] =	vst v1  }
0x7d: {  	[tilespmem:s20+$0xB830] =	vst v1  }
0x7e: {  	[tilespmem:s20+$0x1840] =	vst v1  }
0x7f: {  	[tilespmem:s20+$0xB840] =	vst v1  }
0x80: {  	[tilespmem:s20+$0x1850] =	vst v1  }
0x81: {  	[tilespmem:s20+$0xB850] =	vst v1  }
0x82: {  	s22 =	sand.u32 $0x7, s17;
	[tilespmem:s20+$0x1860] =	vst v1  }
0x83: {  	s21 =	sshll.u32 s22, $0x7;
	[tilespmem:s20+$0xB860] =	vst v1  }
0x84: {  	s21 =	sadd.s32 s21, s18;
	[tilespmem:s20+$0x1870] =	vst v1  }
0x85: {  	[tilespmem:s20+$0xB870] =	vst v1;
	s23 =	sor.u32 $0x1C00, s21  }
0x86: {  	[tilespmem:s23+$0x0] =	vst v1  }
0x87: {  	s24 =	sor.u32 $0x1C10, s21;
	[tilespmem:s23+$0xA000] =	vst v1  }
0x88: {  	[tilespmem:s24+$0x0] =	vst v1  }
0x89: {  	s25 =	sor.u32 $0x1C20, s21;
	[tilespmem:s24+$0xA000] =	vst v1  }
0x8a: {  	[tilespmem:s25+$0x0] =	vst v1  }
0x8b: {  	s26 =	sor.u32 $0x1C30, s21;
	[tilespmem:s25+$0xA000] =	vst v1  }
0x8c: {  	[tilespmem:s26+$0x0] =	vst v1  }
0x8d: {  	s28 =	sor.u32 $0x1C40, s21;
	[tilespmem:s26+$0xA000] =	vst v1  }
0x8e: {  	[tilespmem:s28+$0x0] =	vst v1  }
0x8f: {  	s29 =	sor.u32 $0x1C50, s21;
	[tilespmem:s28+$0xA000] =	vst v1  }
0x90: {  	p1 =	sne.s32 s19, $0x1380;
	[tilespmem:s29+$0x0] =	vst v1  }
.Ltmp2:
0x91: {  	s30 =	sor.u32 $0x1C60, s21;
	[tilespmem:s29+$0xA000] =	vst v1;
	(pc) =	sbr.rel @p1 .LBB2_2-.Ltmp2, $4  }
0x92: {  	[tilespmem:s30+$0x0] =	vst v1  }
0x93: {  	s31 =	sor.u32 $0x1C70, s21;
	[tilespmem:s30+$0xA000] =	vst v1  }
0x94: {  	s17 =	sadd.s32 $0x1, s17;
	[tilespmem:s31+$0x0] =	vst v1  }
0x95: {  	s16 =	sadd.s32 $0x400, s16;
	s19 =	sadd.s32 $0x80, s19;
	s18 =	sadd.s32 $0x400, s18;
	[tilespmem:s31+$0xA000] =	vst v1  }
.Ltmp3:
0x96: {  	(pc) =	sbr.rel .LBB2_4-.Ltmp3, $2  }
0x97: {  	_ =	sdelay $0x2  }
0x98: {  	s16 =	simm.s32 $0x0  }
.LBB2_16:
0x99: {  	s16 =	sadd.s32 $0x1, s16  }
0x9a: {  	p1 =	sne.s32 s16, $0x14  }
.Ltmp4:
0x9b: {  	_ = 	snop;
	(pc) =	sbr.rel @!p1 .LBB2_17-.Ltmp4, $1  }
0x9c: {  	_ =	sdelay $0x3  }
.LBB2_4:
0x9d: {  	p1 =	seq.s32 s16, $0x0  }
.Ltmp5:
0x9e: {  	_ = 	snop;
	(pc) =	sbr.rel @p1 .LBB2_7-.Ltmp5, $4  }
0x9f: {  	_ = 	snop  }
0xa0: {  	s17 =	sshll.u32 s16, $0x6  }
0xa1: {  	s17 =	sor.u32 s17, s5  }
0xa2: {  	s17 =	sor.u32 s3, s17  }
0xa3: {  	s18 =	sadd.s32 $0xFFFFFFC0, s17  }
0xa4: {  	s19 =	smulhi.u32 $0x51EB851F, s18;
	s20 =	sshra.s32 s18, $0x1F  }
0xa5: {  	s20 =	smul.u32 $0x51EB851F, s20;
	_ =	sdelay $0x1  }
0xa6: {  	s19 =	sadd.s32 s20, s19  }
0xa7: {  	s20 =	sshrl.u32 s19, $0x1F;
	s19 =	sshra.s32 s19, $0x3  }
0xa8: {  	s19 =	sadd.s32 s20, s19  }
0xa9: {  	s19 =	smul.u32 $0x19, s19;
	_ =	sdelay $0x1  }
0xaa: {  	s18 =	ssub.s32 s18, s19  }
0xab: {  	p2 =	slt.s32 s18, $0x0;
	s19 =	sadd.s32 $0x19, s18  }
0xac: {  	s18 =	smov.u32 @p2 s19  }
0xad: {  	_ =	swait.ge [sflag:s13], $0xA000;
	s18 =	smul.u32 $0x28, s18  }
0xae: {  	[sflag:s13] =	ssyncset.done $0x0  }
0xaf: {  	[sflag:s13] =	ssyncadd.s32 $0xFFFF6000;
	s19 =	simm.s32 $0x14040;
	v10 =	vmov s18;
	s18 =	simm.s32 $0x0  }
.LBB2_6:
0xb0: {  	v11 =	vld [tilespmem:s19+$0xFFFFFFC0];
	_ =	sdelay $0x1  }
0xb1: {  	v12 =	vmov s18  }
0xb2: {  	v12 =	vshrl.u32 v12, $0x7  }
0xb3: {  	v12 =	vshll.u32 v12, $0xA  }
0xb4: {  	v12 =	vbroadcast v12, $0x0;
	v13 =	vsub.s32 v11, v10;
	v11 =	vshll.u32 v11, $0x7  }
0xb5: {  	v14 =	vshll.u32 v13, $0xA;
	v11 =	vand.u32 $0x380, v11  }
0xb6: {  	v14 =	vand.u32 $0xFFFFE000, v14;
	v11 =	vor.u32 v11, v12  }
0xb7: {  	vm0 =	vlt.u32 v13, $0x28;
	v11 =	vor.u32 v14, v11  }
0xb8: {  	v11 =	vor.u32 v0, v11;
	_ =	sdelay $0x4  }
0xb9: {  	[tilespmem:v11+s4+$0x0] =	vst.idx.msk vm0, v1  }
0xba: {  	v11 =	vld [tilespmem:s19+$0xFFFFFFD0];
	_ =	sdelay $0x4  }
0xbb: {  	v50 =	vsub.s32 v11, v10  }
0xbc: {  	v51 =	vshll.u32 v50, $0xA  }
0xbd: {  	v11 =	vshll.u32 v11, $0x7;
	v14 =	vand.u32 $0xFFFFE000, v51  }
0xbe: {  	v11 =	vand.u32 $0x380, v11;
	v14 =	vadd.s32 v12, v14  }
0xbf: {  	vm9 =	vlt.u32 v50, $0x28;
	v11 =	vor.u32 v11, v14  }
0xc0: {  	v11 =	vor.u32 v3, v11;
	_ =	sdelay $0x4  }
0xc1: {  	[tilespmem:v11+s4+$0x0] =	vst.idx.msk vm9, v1  }
0xc2: {  	v11 =	vld [tilespmem:s19+$0xFFFFFFE0];
	_ =	sdelay $0x4  }
0xc3: {  	v52 =	vsub.s32 v11, v10  }
0xc4: {  	v53 =	vshll.u32 v52, $0xA  }
0xc5: {  	v11 =	vshll.u32 v11, $0x7;
	v14 =	vand.u32 $0xFFFFE000, v53  }
0xc6: {  	v11 =	vand.u32 $0x380, v11;
	v14 =	vadd.s32 v12, v14  }
0xc7: {  	vm10 =	vlt.u32 v52, $0x28;
	v11 =	vor.u32 v11, v14  }
0xc8: {  	v11 =	vor.u32 v4, v11;
	_ =	sdelay $0x4  }
0xc9: {  	[tilespmem:v11+s4+$0x0] =	vst.idx.msk vm10, v1  }
0xca: {  	v11 =	vld [tilespmem:s19+$0xFFFFFFF0];
	_ =	sdelay $0x4  }
0xcb: {  	v54 =	vsub.s32 v11, v10  }
0xcc: {  	v55 =	vshll.u32 v54, $0xA  }
0xcd: {  	v11 =	vshll.u32 v11, $0x7;
	v14 =	vand.u32 $0xFFFFE000, v55  }
0xce: {  	v11 =	vand.u32 $0x380, v11;
	v14 =	vadd.s32 v12, v14  }
0xcf: {  	vm11 =	vlt.u32 v54, $0x28;
	v11 =	vor.u32 v11, v14  }
0xd0: {  	v11 =	vor.u32 v5, v11;
	_ =	sdelay $0x4  }
0xd1: {  	[tilespmem:v11+s4+$0x0] =	vst.idx.msk vm11, v1  }
0xd2: {  	v11 =	vld [tilespmem:s19+$0x0];
	_ =	sdelay $0x4  }
0xd3: {  	v56 =	vsub.s32 v11, v10  }
0xd4: {  	v57 =	vshll.u32 v56, $0xA  }
0xd5: {  	v11 =	vshll.u32 v11, $0x7;
	v14 =	vand.u32 $0xFFFFE000, v57  }
0xd6: {  	v11 =	vand.u32 $0x380, v11;
	v14 =	vadd.s32 v12, v14  }
0xd7: {  	vm12 =	vlt.u32 v56, $0x28;
	v11 =	vor.u32 v11, v14  }
0xd8: {  	v11 =	vor.u32 v6, v11;
	_ =	sdelay $0x4  }
0xd9: {  	[tilespmem:v11+s4+$0x0] =	vst.idx.msk vm12, v1  }
0xda: {  	v11 =	vld [tilespmem:s19+$0x10];
	_ =	sdelay $0x4  }
0xdb: {  	v58 =	vsub.s32 v11, v10  }
0xdc: {  	v59 =	vshll.u32 v58, $0xA  }
0xdd: {  	v11 =	vshll.u32 v11, $0x7;
	v14 =	vand.u32 $0xFFFFE000, v59  }
0xde: {  	v11 =	vand.u32 $0x380, v11;
	v14 =	vadd.s32 v12, v14  }
0xdf: {  	vm13 =	vlt.u32 v58, $0x28;
	v11 =	vor.u32 v11, v14  }
0xe0: {  	v11 =	vor.u32 v7, v11;
	_ =	sdelay $0x4  }
0xe1: {  	[tilespmem:v11+s4+$0x0] =	vst.idx.msk vm13, v1  }
0xe2: {  	v11 =	vld [tilespmem:s19+$0x20];
	_ =	sdelay $0x4  }
0xe3: {  	v60 =	vsub.s32 v11, v10  }
0xe4: {  	v61 =	vshll.u32 v60, $0xA  }
0xe5: {  	v11 =	vshll.u32 v11, $0x7;
	v14 =	vand.u32 $0xFFFFE000, v61  }
0xe6: {  	v11 =	vand.u32 $0x380, v11;
	v14 =	vadd.s32 v12, v14  }
0xe7: {  	vm14 =	vlt.u32 v60, $0x28;
	v11 =	vor.u32 v11, v14  }
0xe8: {  	v11 =	vor.u32 v8, v11;
	_ =	sdelay $0x4  }
0xe9: {  	[tilespmem:v11+s4+$0x0] =	vst.idx.msk vm14, v1  }
0xea: {  	v11 =	vld [tilespmem:s19+$0x30];
	_ =	sdelay $0x4  }
0xeb: {  	v62 =	vsub.s32 v11, v10  }
0xec: {  	v63 =	vshll.u32 v62, $0xA  }
0xed: {  	v11 =	vshll.u32 v11, $0x7;
	v14 =	vand.u32 $0xFFFFE000, v63  }
0xee: {  	v11 =	vand.u32 $0x380, v11;
	v12 =	vadd.s32 v12, v14  }
0xef: {  	vm15 =	vlt.u32 v62, $0x28;
	v11 =	vor.u32 v11, v12  }
0xf0: {  	p2 =	sne.s32 s18, $0x380;
	v11 =	vor.u32 v9, v11  }
.Ltmp6:
0xf1: {  	_ = 	snop;
	(pc) =	sbr.rel @p2 .LBB2_6-.Ltmp6, $2  }
0xf2: {  	_ =	sdelay $0x2  }
0xf3: {  	s18 =	sadd.s32 $0x80, s18;
	s19 =	sadd.s32 $0x80, s19;
	[tilespmem:v11+s4+$0x0] =	vst.idx.msk vm15, v1  }
.LBB2_7:
0xf4: {  	s18 =	smulhi.u32 $0x51EB851F, s17;
	_ =	sdelay $0x1  }
0xf5: {  	s18 =	sshrl.u32 s18, $0x3  }
0xf6: {  	s19 =	sshll.u32 s18, $0x4  }
0xf7: {  	s20 =	smul.u32 $0x19, s18;
	s21 =	sshll.u32 s18, $0x7;
	s19 =	sand.u32 $0x70, s19  }
0xf8: {  	s21 =	sand.u32 $0x3C00, s21;
	s22 =	sadd.s32 s1, s19  }
0xf9: {  	s19 =	ssub.s32 s17, s20;
	s30 =	sadd.s32 s21, s22  }
0xfa: {  	[tilespmem:s9], [sflag:$0x3] =	stream.strided.gather [hbm4b:s30+s7], $0x400, s8, s7, $0x38;
	[tilespmem:$0x14800] =	vst v63  }
0xfb: {  	s31 =	smul.u32 $0x28, s19;
	_ =	swait.ge [sflag:s10], $0x400  }
0xfc: {  	[sflag:s10] =	ssyncset.done $0x0  }
0xfd: {  	s20 =	simm.s32 $0x0;
	s21 =	simm.s32 $0x14040;
	v10 =	vmov s31;
	[sflag:s10] =	ssyncadd.s32 $0xFFFFFC00  }
.LBB2_8:
0xfe: {  	v11 =	vld [tilespmem:s21+$0xFFFFFFC0];
	_ =	sdelay $0x1  }
0xff: {  	v12 =	vmov s20  }
0x100: {  	v12 =	vshrl.u32 v12, $0x7  }
0x101: {  	v12 =	vshll.u32 v12, $0xA  }
0x102: {  	v12 =	vbroadcast v12, $0x0;
	v13 =	vsub.s32 v11, v10;
	v11 =	vshll.u32 v11, $0x7  }
0x103: {  	v14 =	vshll.u32 v13, $0xA;
	v11 =	vand.u32 $0x380, v11  }
0x104: {  	v14 =	vand.u32 $0xFFFFE000, v14;
	v11 =	vor.u32 v11, v12  }
0x105: {  	vm0 =	vlt.u32 v13, $0x28;
	v11 =	vor.u32 v14, v11  }
0x106: {  	v11 =	vor.u32 v0, v11;
	_ =	sdelay $0x4  }
0x107: {  	[tilespmem:v11+s4+$0x0] =	vst.idx.msk vm0, v2  }
0x108: {  	v11 =	vld [tilespmem:s21+$0xFFFFFFD0];
	_ =	sdelay $0x4  }
0x109: {  	v50 =	vsub.s32 v11, v10  }
0x10a: {  	v51 =	vshll.u32 v50, $0xA  }
0x10b: {  	v11 =	vshll.u32 v11, $0x7;
	v14 =	vand.u32 $0xFFFFE000, v51  }
0x10c: {  	v11 =	vand.u32 $0x380, v11;
	v14 =	vadd.s32 v12, v14  }
0x10d: {  	vm9 =	vlt.u32 v50, $0x28;
	v11 =	vor.u32 v11, v14  }
0x10e: {  	v11 =	vor.u32 v3, v11;
	_ =	sdelay $0x4  }
0x10f: {  	[tilespmem:v11+s4+$0x0] =	vst.idx.msk vm9, v2  }
0x110: {  	v11 =	vld [tilespmem:s21+$0xFFFFFFE0];
	_ =	sdelay $0x4  }
0x111: {  	v52 =	vsub.s32 v11, v10  }
0x112: {  	v53 =	vshll.u32 v52, $0xA  }
0x113: {  	v11 =	vshll.u32 v11, $0x7;
	v14 =	vand.u32 $0xFFFFE000, v53  }
0x114: {  	v11 =	vand.u32 $0x380, v11;
	v14 =	vadd.s32 v12, v14  }
0x115: {  	vm10 =	vlt.u32 v52, $0x28;
	v11 =	vor.u32 v11, v14  }
0x116: {  	v11 =	vor.u32 v4, v11;
	_ =	sdelay $0x4  }
0x117: {  	[tilespmem:v11+s4+$0x0] =	vst.idx.msk vm10, v2  }
0x118: {  	v11 =	vld [tilespmem:s21+$0xFFFFFFF0];
	_ =	sdelay $0x4  }
0x119: {  	v54 =	vsub.s32 v11, v10  }
0x11a: {  	v55 =	vshll.u32 v54, $0xA  }
0x11b: {  	v11 =	vshll.u32 v11, $0x7;
	v14 =	vand.u32 $0xFFFFE000, v55  }
0x11c: {  	v11 =	vand.u32 $0x380, v11;
	v14 =	vadd.s32 v12, v14  }
0x11d: {  	vm11 =	vlt.u32 v54, $0x28;
	v11 =	vor.u32 v11, v14  }
0x11e: {  	v11 =	vor.u32 v5, v11;
	_ =	sdelay $0x4  }
0x11f: {  	[tilespmem:v11+s4+$0x0] =	vst.idx.msk vm11, v2  }
0x120: {  	v11 =	vld [tilespmem:s21+$0x0];
	_ =	sdelay $0x4  }
0x121: {  	v56 =	vsub.s32 v11, v10  }
0x122: {  	v57 =	vshll.u32 v56, $0xA  }
0x123: {  	v11 =	vshll.u32 v11, $0x7;
	v14 =	vand.u32 $0xFFFFE000, v57  }
0x124: {  	v11 =	vand.u32 $0x380, v11;
	v14 =	vadd.s32 v12, v14  }
0x125: {  	vm12 =	vlt.u32 v56, $0x28;
	v11 =	vor.u32 v11, v14  }
0x126: {  	v11 =	vor.u32 v6, v11;
	_ =	sdelay $0x4  }
0x127: {  	[tilespmem:v11+s4+$0x0] =	vst.idx.msk vm12, v2  }
0x128: {  	v11 =	vld [tilespmem:s21+$0x10];
	_ =	sdelay $0x4  }
0x129: {  	v58 =	vsub.s32 v11, v10  }
0x12a: {  	v59 =	vshll.u32 v58, $0xA  }
0x12b: {  	v11 =	vshll.u32 v11, $0x7;
	v14 =	vand.u32 $0xFFFFE000, v59  }
0x12c: {  	v11 =	vand.u32 $0x380, v11;
	v14 =	vadd.s32 v12, v14  }
0x12d: {  	vm13 =	vlt.u32 v58, $0x28;
	v11 =	vor.u32 v11, v14  }
0x12e: {  	v11 =	vor.u32 v7, v11;
	_ =	sdelay $0x4  }
0x12f: {  	[tilespmem:v11+s4+$0x0] =	vst.idx.msk vm13, v2  }
0x130: {  	v11 =	vld [tilespmem:s21+$0x20];
	_ =	sdelay $0x4  }
0x131: {  	v60 =	vsub.s32 v11, v10  }
0x132: {  	v61 =	vshll.u32 v60, $0xA  }
0x133: {  	v11 =	vshll.u32 v11, $0x7;
	v14 =	vand.u32 $0xFFFFE000, v61  }
0x134: {  	v11 =	vand.u32 $0x380, v11;
	v14 =	vadd.s32 v12, v14  }
0x135: {  	vm14 =	vlt.u32 v60, $0x28;
	v11 =	vor.u32 v11, v14  }
0x136: {  	v11 =	vor.u32 v8, v11;
	_ =	sdelay $0x4  }
0x137: {  	[tilespmem:v11+s4+$0x0] =	vst.idx.msk vm14, v2  }
0x138: {  	v11 =	vld [tilespmem:s21+$0x30];
	_ =	sdelay $0x4  }
0x139: {  	v62 =	vsub.s32 v11, v10  }
0x13a: {  	v63 =	vshll.u32 v62, $0xA  }
0x13b: {  	v11 =	vshll.u32 v11, $0x7;
	v14 =	vand.u32 $0xFFFFE000, v63  }
0x13c: {  	v11 =	vand.u32 $0x380, v11;
	v12 =	vadd.s32 v12, v14  }
0x13d: {  	vm15 =	vlt.u32 v62, $0x28;
	v11 =	vor.u32 v11, v12  }
0x13e: {  	p2 =	sne.s32 s20, $0x380;
	v11 =	vor.u32 v9, v11  }
.Ltmp7:
0x13f: {  	_ = 	snop;
	(pc) =	sbr.rel @p2 .LBB2_8-.Ltmp7, $2  }
0x140: {  	_ =	sdelay $0x2  }
0x141: {  	s20 =	sadd.s32 $0x80, s20;
	s21 =	sadd.s32 $0x80, s21;
	[tilespmem:v11+s4+$0x0] =	vst.idx.msk vm15, v2  }
0x142: {  	s18 =	smul.u32 $0xFA000, s18  }
0x143: {  	s19 =	smul.u32 $0xA000, s19  }
.Ltmp8:
0x144: {  	_ = 	snop;
	(pc) =	sbr.rel @p1 .LBB2_12-.Ltmp8, $4  }
0x145: {  	s18 =	sadd.s32 s19, s18  }
0x146: {  	s18 =	sshrl.u32 s18, $0x3  }
0x147: {  	s18 =	sadd.s32 s2, s18  }
0x148: {  	[hbm4b:s18+s4] =	stream.linear.scatter [tilespmem:s4], [sflag:$0x1], $0xA000, $0x38;
	[tilespmem:$0x14800] =	vst v63  }
0x149: {  	s18 =	sadd.s32 $0xFFFFFFE0, s17  }
0x14a: {  	s19 =	smulhi.u32 $0x51EB851F, s18;
	s20 =	sshra.s32 s18, $0x1F  }
0x14b: {  	s20 =	smul.u32 $0x51EB851F, s20;
	_ =	sdelay $0x1  }
0x14c: {  	s19 =	sadd.s32 s20, s19  }
0x14d: {  	s20 =	sshrl.u32 s19, $0x1F;
	s19 =	sshra.s32 s19, $0x3  }
0x14e: {  	s19 =	sadd.s32 s20, s19  }
0x14f: {  	s19 =	smul.u32 $0x19, s19;
	_ =	sdelay $0x1  }
0x150: {  	s18 =	ssub.s32 s18, s19  }
0x151: {  	p1 =	slt.s32 s18, $0x0;
	s19 =	sadd.s32 $0x19, s18  }
0x152: {  	s18 =	smov.u32 @p1 s19  }
0x153: {  	_ =	swait.ge [sflag:s14], $0xA000;
	s18 =	smul.u32 $0x28, s18  }
0x154: {  	[sflag:s14] =	ssyncset.done $0x0  }
0x155: {  	[sflag:s14] =	ssyncadd.s32 $0xFFFF6000;
	s19 =	simm.s32 $0x14440;
	v10 =	vmov s18;
	s18 =	simm.s32 $0x0  }
.LBB2_11:
0x156: {  	v11 =	vld [tilespmem:s19+$0xFFFFFFC0];
	_ =	sdelay $0x1  }
0x157: {  	v12 =	vmov s18  }
0x158: {  	v12 =	vshrl.u32 v12, $0x7  }
0x159: {  	v12 =	vshll.u32 v12, $0xA  }
0x15a: {  	v12 =	vbroadcast v12, $0x0;
	v13 =	vsub.s32 v11, v10;
	v11 =	vshll.u32 v11, $0x7  }
0x15b: {  	v14 =	vshll.u32 v13, $0xA;
	v11 =	vand.u32 $0x380, v11  }
0x15c: {  	v14 =	vand.u32 $0xFFFFE000, v14;
	v11 =	vor.u32 v11, v12  }
0x15d: {  	vm0 =	vlt.u32 v13, $0x28;
	v11 =	vor.u32 v14, v11  }
0x15e: {  	v11 =	vor.u32 v0, v11;
	_ =	sdelay $0x4  }
0x15f: {  	[tilespmem:v11+s12+$0x0] =	vst.idx.msk vm0, v1  }
0x160: {  	v11 =	vld [tilespmem:s19+$0xFFFFFFD0];
	_ =	sdelay $0x4  }
0x161: {  	v50 =	vsub.s32 v11, v10  }
0x162: {  	v51 =	vshll.u32 v50, $0xA  }
0x163: {  	v11 =	vshll.u32 v11, $0x7;
	v14 =	vand.u32 $0xFFFFE000, v51  }
0x164: {  	v11 =	vand.u32 $0x380, v11;
	v14 =	vadd.s32 v12, v14  }
0x165: {  	vm9 =	vlt.u32 v50, $0x28;
	v11 =	vor.u32 v11, v14  }
0x166: {  	v11 =	vor.u32 v3, v11;
	_ =	sdelay $0x4  }
0x167: {  	[tilespmem:v11+s12+$0x0] =	vst.idx.msk vm9, v1  }
0x168: {  	v11 =	vld [tilespmem:s19+$0xFFFFFFE0];
	_ =	sdelay $0x4  }
0x169: {  	v52 =	vsub.s32 v11, v10  }
0x16a: {  	v53 =	vshll.u32 v52, $0xA  }
0x16b: {  	v11 =	vshll.u32 v11, $0x7;
	v14 =	vand.u32 $0xFFFFE000, v53  }
0x16c: {  	v11 =	vand.u32 $0x380, v11;
	v14 =	vadd.s32 v12, v14  }
0x16d: {  	vm10 =	vlt.u32 v52, $0x28;
	v11 =	vor.u32 v11, v14  }
0x16e: {  	v11 =	vor.u32 v4, v11;
	_ =	sdelay $0x4  }
0x16f: {  	[tilespmem:v11+s12+$0x0] =	vst.idx.msk vm10, v1  }
0x170: {  	v11 =	vld [tilespmem:s19+$0xFFFFFFF0];
	_ =	sdelay $0x4  }
0x171: {  	v54 =	vsub.s32 v11, v10  }
0x172: {  	v55 =	vshll.u32 v54, $0xA  }
0x173: {  	v11 =	vshll.u32 v11, $0x7;
	v14 =	vand.u32 $0xFFFFE000, v55  }
0x174: {  	v11 =	vand.u32 $0x380, v11;
	v14 =	vadd.s32 v12, v14  }
0x175: {  	vm11 =	vlt.u32 v54, $0x28;
	v11 =	vor.u32 v11, v14  }
0x176: {  	v11 =	vor.u32 v5, v11;
	_ =	sdelay $0x4  }
0x177: {  	[tilespmem:v11+s12+$0x0] =	vst.idx.msk vm11, v1  }
0x178: {  	v11 =	vld [tilespmem:s19+$0x0];
	_ =	sdelay $0x4  }
0x179: {  	v56 =	vsub.s32 v11, v10  }
0x17a: {  	v57 =	vshll.u32 v56, $0xA  }
0x17b: {  	v11 =	vshll.u32 v11, $0x7;
	v14 =	vand.u32 $0xFFFFE000, v57  }
0x17c: {  	v11 =	vand.u32 $0x380, v11;
	v14 =	vadd.s32 v12, v14  }
0x17d: {  	vm12 =	vlt.u32 v56, $0x28;
	v11 =	vor.u32 v11, v14  }
0x17e: {  	v11 =	vor.u32 v6, v11;
	_ =	sdelay $0x4  }
0x17f: {  	[tilespmem:v11+s12+$0x0] =	vst.idx.msk vm12, v1  }
0x180: {  	v11 =	vld [tilespmem:s19+$0x10];
	_ =	sdelay $0x4  }
0x181: {  	v58 =	vsub.s32 v11, v10  }
0x182: {  	v59 =	vshll.u32 v58, $0xA  }
0x183: {  	v11 =	vshll.u32 v11, $0x7;
	v14 =	vand.u32 $0xFFFFE000, v59  }
0x184: {  	v11 =	vand.u32 $0x380, v11;
	v14 =	vadd.s32 v12, v14  }
0x185: {  	vm13 =	vlt.u32 v58, $0x28;
	v11 =	vor.u32 v11, v14  }
0x186: {  	v11 =	vor.u32 v7, v11;
	_ =	sdelay $0x4  }
0x187: {  	[tilespmem:v11+s12+$0x0] =	vst.idx.msk vm13, v1  }
0x188: {  	v11 =	vld [tilespmem:s19+$0x20];
	_ =	sdelay $0x4  }
0x189: {  	v60 =	vsub.s32 v11, v10  }
0x18a: {  	v61 =	vshll.u32 v60, $0xA  }
0x18b: {  	v11 =	vshll.u32 v11, $0x7;
	v14 =	vand.u32 $0xFFFFE000, v61  }
0x18c: {  	v11 =	vand.u32 $0x380, v11;
	v14 =	vadd.s32 v12, v14  }
0x18d: {  	vm14 =	vlt.u32 v60, $0x28;
	v11 =	vor.u32 v11, v14  }
0x18e: {  	v11 =	vor.u32 v8, v11;
	_ =	sdelay $0x4  }
0x18f: {  	[tilespmem:v11+s12+$0x0] =	vst.idx.msk vm14, v1  }
0x190: {  	v11 =	vld [tilespmem:s19+$0x30];
	_ =	sdelay $0x4  }
0x191: {  	v62 =	vsub.s32 v11, v10  }
0x192: {  	v63 =	vshll.u32 v62, $0xA  }
0x193: {  	v11 =	vshll.u32 v11, $0x7;
	v14 =	vand.u32 $0xFFFFE000, v63  }
0x194: {  	v11 =	vand.u32 $0x380, v11;
	v12 =	vadd.s32 v12, v14  }
0x195: {  	vm15 =	vlt.u32 v62, $0x28;
	v11 =	vor.u32 v11, v12  }
0x196: {  	p1 =	sne.s32 s18, $0x380;
	v11 =	vor.u32 v9, v11  }
.Ltmp9:
0x197: {  	_ = 	snop;
	(pc) =	sbr.rel @p1 .LBB2_11-.Ltmp9, $2  }
0x198: {  	_ =	sdelay $0x2  }
0x199: {  	s18 =	sadd.s32 $0x80, s18;
	s19 =	sadd.s32 $0x80, s19;
	[tilespmem:v11+s12+$0x0] =	vst.idx.msk vm15, v1  }
.LBB2_12:
0x19a: {  	s18 =	sor.u32 $0x20, s17  }
0x19b: {  	p1 =	sgt.u32 s18, $0x4E1  }
.Ltmp10:
0x19c: {  	_ = 	snop;
	(pc) =	sbr.rel @p1 .LBB2_16-.Ltmp10, $1  }
0x19d: {  	_ =	sdelay $0x3  }
0x19e: {  	s17 =	smulhi.u32 $0x51EB851F, s18;
	_ =	sdelay $0x1  }
0x19f: {  	s17 =	sshrl.u32 s17, $0x3  }
0x1a0: {  	s19 =	sshll.u32 s17, $0x4  }
0x1a1: {  	s20 =	smul.u32 $0x19, s17;
	s21 =	sshll.u32 s17, $0x7;
	s19 =	sand.u32 $0x70, s19  }
0x1a2: {  	s21 =	sand.u32 $0x3C00, s21;
	s19 =	sadd.s32 s1, s19  }
0x1a3: {  	s18 =	ssub.s32 s18, s20;
	s19 =	sadd.s32 s21, s19  }
0x1a4: {  	[tilespmem:s11], [sflag:$0x3] =	stream.strided.gather [hbm4b:s19+s7], $0x400, s8, s7, $0x38;
	[tilespmem:$0x14800] =	vst v63  }
0x1a5: {  	s31 =	smul.u32 $0x28, s18;
	_ =	swait.ge [sflag:s10], $0x400  }
0x1a6: {  	[sflag:s10] =	ssyncset.done $0x0  }
0x1a7: {  	s20 =	simm.s32 $0x14440;
	s19 =	simm.s32 $0x0;
	v10 =	vmov s31;
	[sflag:s10] =	ssyncadd.s32 $0xFFFFFC00  }
.LBB2_14:
0x1a8: {  	v11 =	vld [tilespmem:s20+$0xFFFFFFC0];
	_ =	sdelay $0x1  }
0x1a9: {  	v12 =	vmov s19  }
0x1aa: {  	v12 =	vshrl.u32 v12, $0x7  }
0x1ab: {  	v12 =	vshll.u32 v12, $0xA  }
0x1ac: {  	v12 =	vbroadcast v12, $0x0;
	v13 =	vsub.s32 v11, v10;
	v11 =	vshll.u32 v11, $0x7  }
0x1ad: {  	v14 =	vshll.u32 v13, $0xA;
	v11 =	vand.u32 $0x380, v11  }
0x1ae: {  	v14 =	vand.u32 $0xFFFFE000, v14;
	v11 =	vor.u32 v11, v12  }
0x1af: {  	vm0 =	vlt.u32 v13, $0x28;
	v11 =	vor.u32 v14, v11  }
0x1b0: {  	v11 =	vor.u32 v0, v11;
	_ =	sdelay $0x4  }
0x1b1: {  	[tilespmem:v11+s12+$0x0] =	vst.idx.msk vm0, v2  }
0x1b2: {  	v11 =	vld [tilespmem:s20+$0xFFFFFFD0];
	_ =	sdelay $0x4  }
0x1b3: {  	v50 =	vsub.s32 v11, v10  }
0x1b4: {  	v51 =	vshll.u32 v50, $0xA  }
0x1b5: {  	v11 =	vshll.u32 v11, $0x7;
	v14 =	vand.u32 $0xFFFFE000, v51  }
0x1b6: {  	v11 =	vand.u32 $0x380, v11;
	v14 =	vadd.s32 v12, v14  }
0x1b7: {  	vm9 =	vlt.u32 v50, $0x28;
	v11 =	vor.u32 v11, v14  }
0x1b8: {  	v11 =	vor.u32 v3, v11;
	_ =	sdelay $0x4  }
0x1b9: {  	[tilespmem:v11+s12+$0x0] =	vst.idx.msk vm9, v2  }
0x1ba: {  	v11 =	vld [tilespmem:s20+$0xFFFFFFE0];
	_ =	sdelay $0x4  }
0x1bb: {  	v52 =	vsub.s32 v11, v10  }
0x1bc: {  	v53 =	vshll.u32 v52, $0xA  }
0x1bd: {  	v11 =	vshll.u32 v11, $0x7;
	v14 =	vand.u32 $0xFFFFE000, v53  }
0x1be: {  	v11 =	vand.u32 $0x380, v11;
	v14 =	vadd.s32 v12, v14  }
0x1bf: {  	vm10 =	vlt.u32 v52, $0x28;
	v11 =	vor.u32 v11, v14  }
0x1c0: {  	v11 =	vor.u32 v4, v11;
	_ =	sdelay $0x4  }
0x1c1: {  	[tilespmem:v11+s12+$0x0] =	vst.idx.msk vm10, v2  }
0x1c2: {  	v11 =	vld [tilespmem:s20+$0xFFFFFFF0];
	_ =	sdelay $0x4  }
0x1c3: {  	v54 =	vsub.s32 v11, v10  }
0x1c4: {  	v55 =	vshll.u32 v54, $0xA  }
0x1c5: {  	v11 =	vshll.u32 v11, $0x7;
	v14 =	vand.u32 $0xFFFFE000, v55  }
0x1c6: {  	v11 =	vand.u32 $0x380, v11;
	v14 =	vadd.s32 v12, v14  }
0x1c7: {  	vm11 =	vlt.u32 v54, $0x28;
	v11 =	vor.u32 v11, v14  }
0x1c8: {  	v11 =	vor.u32 v5, v11;
	_ =	sdelay $0x4  }
0x1c9: {  	[tilespmem:v11+s12+$0x0] =	vst.idx.msk vm11, v2  }
0x1ca: {  	v11 =	vld [tilespmem:s20+$0x0];
	_ =	sdelay $0x4  }
0x1cb: {  	v56 =	vsub.s32 v11, v10  }
0x1cc: {  	v57 =	vshll.u32 v56, $0xA  }
0x1cd: {  	v11 =	vshll.u32 v11, $0x7;
	v14 =	vand.u32 $0xFFFFE000, v57  }
0x1ce: {  	v11 =	vand.u32 $0x380, v11;
	v14 =	vadd.s32 v12, v14  }
0x1cf: {  	vm12 =	vlt.u32 v56, $0x28;
	v11 =	vor.u32 v11, v14  }
0x1d0: {  	v11 =	vor.u32 v6, v11;
	_ =	sdelay $0x4  }
0x1d1: {  	[tilespmem:v11+s12+$0x0] =	vst.idx.msk vm12, v2  }
0x1d2: {  	v11 =	vld [tilespmem:s20+$0x10];
	_ =	sdelay $0x4  }
0x1d3: {  	v58 =	vsub.s32 v11, v10  }
0x1d4: {  	v59 =	vshll.u32 v58, $0xA  }
0x1d5: {  	v11 =	vshll.u32 v11, $0x7;
	v14 =	vand.u32 $0xFFFFE000, v59  }
0x1d6: {  	v11 =	vand.u32 $0x380, v11;
	v14 =	vadd.s32 v12, v14  }
0x1d7: {  	vm13 =	vlt.u32 v58, $0x28;
	v11 =	vor.u32 v11, v14  }
0x1d8: {  	v11 =	vor.u32 v7, v11;
	_ =	sdelay $0x4  }
0x1d9: {  	[tilespmem:v11+s12+$0x0] =	vst.idx.msk vm13, v2  }
0x1da: {  	v11 =	vld [tilespmem:s20+$0x20];
	_ =	sdelay $0x4  }
0x1db: {  	v60 =	vsub.s32 v11, v10  }
0x1dc: {  	v61 =	vshll.u32 v60, $0xA  }
0x1dd: {  	v11 =	vshll.u32 v11, $0x7;
	v14 =	vand.u32 $0xFFFFE000, v61  }
0x1de: {  	v11 =	vand.u32 $0x380, v11;
	v14 =	vadd.s32 v12, v14  }
0x1df: {  	vm14 =	vlt.u32 v60, $0x28;
	v11 =	vor.u32 v11, v14  }
0x1e0: {  	v11 =	vor.u32 v8, v11;
	_ =	sdelay $0x4  }
0x1e1: {  	[tilespmem:v11+s12+$0x0] =	vst.idx.msk vm14, v2  }
0x1e2: {  	v11 =	vld [tilespmem:s20+$0x30];
	_ =	sdelay $0x4  }
0x1e3: {  	v62 =	vsub.s32 v11, v10  }
0x1e4: {  	v63 =	vshll.u32 v62, $0xA  }
0x1e5: {  	v11 =	vshll.u32 v11, $0x7;
	v14 =	vand.u32 $0xFFFFE000, v63  }
0x1e6: {  	v11 =	vand.u32 $0x380, v11;
	v12 =	vadd.s32 v12, v14  }
0x1e7: {  	vm15 =	vlt.u32 v62, $0x28;
	v11 =	vor.u32 v11, v12  }
0x1e8: {  	p1 =	sne.s32 s19, $0x380;
	v11 =	vor.u32 v9, v11  }
.Ltmp11:
0x1e9: {  	_ = 	snop;
	(pc) =	sbr.rel @p1 .LBB2_14-.Ltmp11, $2  }
0x1ea: {  	_ =	sdelay $0x2  }
0x1eb: {  	s19 =	sadd.s32 $0x80, s19;
	s20 =	sadd.s32 $0x80, s20;
	[tilespmem:v11+s12+$0x0] =	vst.idx.msk vm15, v2  }
0x1ec: {  	s17 =	smul.u32 $0xFA000, s17  }
0x1ed: {  	s18 =	smul.u32 $0xA000, s18  }
.Ltmp12:
0x1ee: {  	_ = 	snop;
	(pc) =	sbr.rel .LBB2_16-.Ltmp12, $4  }
0x1ef: {  	s17 =	sadd.s32 s18, s17  }
0x1f0: {  	s17 =	sshrl.u32 s17, $0x3  }
0x1f1: {  	s17 =	sadd.s32 s2, s17  }
0x1f2: {  	[hbm4b:s17+s4] =	stream.linear.scatter [tilespmem:s12], [sflag:$0x2], $0xA000, $0x38;
	[tilespmem:$0x14800] =	vst v63  }
.LBB2_18:
0x1f3: {  	_ =	sfence.sel $0x180000  }
0x1f4: {  	[bflag:$0x0] =	sbarrier.arrive $0xFFFF  }
0x1f5: {  	_ =	strace $0x90000047  }
0x1f6: {  	s0 =	sadd.s32 @!p0 $0x100000, s0;
	[bflag:$0x2] =	sbarrier.arrive $0xFFFF  }
0x1f7: {  	[sflag:s0] =	ssyncadd.tile.s32 @!p0 $0x1;
	_ =	shalt  }
.Lfunc_end2:
_tile_overlayer_lowered:
.L_overlay_start_2:
0x1f8: {  	(tag) =	ssettag $0x2  }
0x1f9: {  	s0 =	rddreg [dreg:$0x0];
	s2 =	stileid.u32  }
0x1fa: {  	s1 =	rddreg [dreg:$0x1];
	p0 =	sne.s32 s2, $0x0  }
0x1fb: {  	s3 =	rddreg [dreg:$0x2];
	[bflag:$0x3] =	sbarrier.arrive $0xFFFF;
	s2 =	simm.s32 @!p0 $0x1C03  }
0x1fc: {  	[timem:s3], [sflag:s2] =	dma.local @!p0 [hbm:s0], s1  }
0x1fd: {  	s0 =	simm.s32 @!p0 $0x3  }
0x1fe: {  	_ =	swait.ge @!p0 [sflag:s0], s1  }
0x1ff: {  	s1 =	ssub.s32 @!p0 $0x0, s1;
	[sflag:s0] =	ssyncset.done @!p0 $0x0  }
0x200: {  	[sflag:s0] =	ssyncadd.s32 @!p0 s1  }
0x201: {  	[bflag:$0x3] =	sbarrier.arrive $0xFFFF  }
0x202: {  	_ =	shalt  }

</sc_bundles>
